<compile_context>
chip_gen: v7x
topology: tpu7x:2x2x1
jax: 0.10.2.dev20260603
libtpu: 0.0.44.dev20260713+nightly
codegen_flags: <defaults>
</compile_context>

<pallas_src>
import jax
import jax.numpy as jnp
from jax import lax
from jax.experimental import pallas as pl
from jax.experimental.pallas import tpu as pltpu
from jax.experimental.pallas import tpu_sc as plsc

N = 10000
E = 320000
D = 128

NC = 2
NS = 16
NW = NC * NS

NPAD = 10112
RPT = NPAD // NS
DEGW = 16

CP = 128
K = (E // NW + CP - 1) // CP
EP = NW * K * CP

CA = 64
KA = (E // NW + CA - 1) // CA
EA = NW * KA * CA

_mesh = plsc.VectorSubcoreMesh(core_axis_name="c", subcore_axis_name="s")
_no_tiling = pltpu.CompilerParams(use_tc_tiling_on_sc=False)


def _deg_body(src3, ones_hbm, zeros_hbm, out_hbm, sidx, ones_v, cnt, sem):
    cid = lax.axis_index("c")
    sid = lax.axis_index("s")
    wid = cid * NS + sid
    r0 = sid * RPT
    pltpu.sync_copy(zeros_hbm.at[pl.ds(r0, RPT)], cnt.at[pl.ds(r0, RPT)])
    pltpu.sync_copy(src3.at[wid], sidx)
    pltpu.sync_copy(ones_hbm, ones_v)
    plsc.subcore_barrier()

    def body(j, carry):
        pltpu.sync_copy(ones_v, cnt.at[sidx.at[j]], add=True)
        return carry

    lax.fori_loop(0, K, body, None)
    plsc.subcore_barrier()
    pltpu.sync_copy(cnt.at[pl.ds(r0, RPT)], out_hbm.at[cid, pl.ds(r0, RPT)])


_deg_kernel = pl.kernel(
    _deg_body,
    out_type=jax.ShapeDtypeStruct((NC, NPAD, DEGW), jnp.float32),
    mesh=_mesh,
    compiler_params=_no_tiling,
    scratch_types=[
        pltpu.VMEM((K, CP), jnp.int32),
        pltpu.VMEM((CP, DEGW), jnp.float32),
        pltpu.VMEM_SHARED((NPAD, DEGW), jnp.float32),
        pltpu.SemaphoreType.DMA,
    ],
)


def _agg_body(h_hbm, src3, dst3, ones_hbm, zeros_hbm, zeros16_hbm,
              out_hbm, cnt_hbm,
              sidx, didx, rows0, rows1, ones_v, acc, cnt,
              gs0, gs1, ss0, ss1, cs):
    cid = lax.axis_index("c")
    sid = lax.axis_index("s")
    wid = cid * NS + sid
    r0 = sid * RPT
    pltpu.sync_copy(zeros_hbm.at[pl.ds(r0, RPT)], acc.at[pl.ds(r0, RPT)])
    pltpu.sync_copy(zeros16_hbm.at[pl.ds(r0, RPT)], cnt.at[pl.ds(r0, RPT)])
    pltpu.sync_copy(src3.at[wid], sidx)
    pltpu.sync_copy(dst3.at[wid], didx)
    pltpu.sync_copy(ones_hbm, ones_v)
    plsc.subcore_barrier()

    pltpu.async_copy(h_hbm.at[sidx.at[0]], rows0, gs0)

    def body(t, carry):
        j0 = 2 * t
        pltpu.async_copy(h_hbm.at[sidx.at[j0 + 1]], rows1, gs1)
        pltpu.async_copy(ones_v, cnt.at[didx.at[j0]], cs, add=True)
        pltpu.make_async_copy(h_hbm.at[sidx.at[j0]], rows0, gs0).wait()
        pltpu.async_copy(rows0, acc.at[didx.at[j0]], ss0, add=True)
        pltpu.make_async_copy(ones_v, cnt.at[didx.at[j0]], cs).wait()
        pltpu.async_copy(ones_v, cnt.at[didx.at[j0 + 1]], cs, add=True)
        pltpu.make_async_copy(rows0, acc.at[didx.at[j0]], ss0).wait()
        pltpu.async_copy(h_hbm.at[sidx.at[j0 + 2]], rows0, gs0)
        pltpu.make_async_copy(h_hbm.at[sidx.at[j0 + 1]], rows1, gs1).wait()
        pltpu.async_copy(rows1, acc.at[didx.at[j0 + 1]], ss1, add=True)
        pltpu.make_async_copy(ones_v, cnt.at[didx.at[j0 + 1]], cs).wait()
        pltpu.make_async_copy(rows1, acc.at[didx.at[j0 + 1]], ss1).wait()
        return carry

    lax.fori_loop(0, (KA - 1) // 2, body, None)
    jlast = KA - 1
    pltpu.make_async_copy(h_hbm.at[sidx.at[jlast]], rows0, gs0).wait()
    pltpu.sync_copy(rows0, acc.at[didx.at[jlast]], add=True)
    pltpu.sync_copy(ones_v, cnt.at[didx.at[jlast]], add=True)
    plsc.subcore_barrier()
    pltpu.sync_copy(acc.at[pl.ds(r0, RPT)], out_hbm.at[cid, pl.ds(r0, RPT)])
    pltpu.sync_copy(cnt.at[pl.ds(r0, RPT)], cnt_hbm.at[cid, pl.ds(r0, RPT)])


_agg_kernel = pl.kernel(
    _agg_body,
    out_type=(
        jax.ShapeDtypeStruct((NC, NPAD, D), jnp.float32),
        jax.ShapeDtypeStruct((NC, NPAD, DEGW), jnp.float32),
    ),
    mesh=_mesh,
    compiler_params=_no_tiling,
    scratch_types=[
        pltpu.VMEM((KA, CA), jnp.int32),
        pltpu.VMEM((KA, CA), jnp.int32),
        pltpu.VMEM((CA, D), jnp.float32),
        pltpu.VMEM((CA, D), jnp.float32),
        pltpu.VMEM((CA, DEGW), jnp.float32),
        pltpu.VMEM_SHARED((NPAD, D), jnp.float32),
        pltpu.VMEM_SHARED((NPAD, DEGW), jnp.float32),
        pltpu.SemaphoreType.DMA,
        pltpu.SemaphoreType.DMA,
        pltpu.SemaphoreType.DMA,
        pltpu.SemaphoreType.DMA,
        pltpu.SemaphoreType.DMA,
    ],
)


def _h_body(x_ref, w_ref, d0_ref, d1_ref, o_ref):
    deg = d0_ref[0, :, 0:1] + d1_ref[0, :, 0:1]
    ns = lax.rsqrt(jnp.maximum(deg, 1.0))
    o_ref[...] = jnp.dot(x_ref[...] * ns, w_ref[...],
                         preferred_element_type=jnp.float32)


_NB = 10
_BR = N // _NB


def _h_kernel(x, W, dd):
    return pl.pallas_call(
        _h_body,
        out_shape=jax.ShapeDtypeStruct((N, D), jnp.float32),
        grid=(_NB,),
        in_specs=[
            pl.BlockSpec((_BR, D), lambda i: (i, 0)),
            pl.BlockSpec((D, D), lambda i: (0, 0)),
            pl.BlockSpec((1, _BR, DEGW), lambda i: (0, i, 0)),
            pl.BlockSpec((1, _BR, DEGW), lambda i: (1, i, 0)),
        ],
        out_specs=pl.BlockSpec((_BR, D), lambda i: (i, 0)),
    )(x, W, dd, dd)


def _ln_body(s0_ref, s1_ref, d0_ref, d1_ref, b_ref, g_ref, be_ref, o_ref):
    deg = d0_ref[0, :, 0:1] + d1_ref[0, :, 0:1]
    nd = lax.rsqrt(jnp.maximum(deg, 1.0))
    agg = (s0_ref[0] + s1_ref[0]) * nd + b_ref[...]
    mean = jnp.mean(agg, axis=-1, keepdims=True)
    cen = agg - mean
    var = jnp.mean(cen * cen, axis=-1, keepdims=True)
    normed = cen * lax.rsqrt(var + 1e-5) * g_ref[...] + be_ref[...]
    o_ref[...] = jnp.maximum(normed, 0.0)


def _ln_kernel(part, cc, b, gamma, beta):
    return pl.pallas_call(
        _ln_body,
        out_shape=jax.ShapeDtypeStruct((N, D), jnp.float32),
        grid=(_NB,),
        in_specs=[
            pl.BlockSpec((1, _BR, D), lambda i: (0, i, 0)),
            pl.BlockSpec((1, _BR, D), lambda i: (1, i, 0)),
            pl.BlockSpec((1, _BR, DEGW), lambda i: (0, i, 0)),
            pl.BlockSpec((1, _BR, DEGW), lambda i: (1, i, 0)),
            pl.BlockSpec((1, D), lambda i: (0, 0)),
            pl.BlockSpec((1, D), lambda i: (0, 0)),
            pl.BlockSpec((1, D), lambda i: (0, 0)),
        ],
        out_specs=pl.BlockSpec((_BR, D), lambda i: (i, 0)),
    )(part, part, cc, cc, b, gamma, beta)


@jax.jit
def kernel(adj, x, W, b, gamma, beta):
    src = adj[:, 0]
    dst = adj[:, 1]
    padk = EP - E
    trash_k = N + (jnp.arange(padk, dtype=jnp.int32) % (NPAD - N))
    pada = EA - E
    trash_a = N + (jnp.arange(pada, dtype=jnp.int32) % (NPAD - N))
    zeros_a = jnp.zeros((pada,), dtype=jnp.int32)
    src3_deg = jnp.concatenate([src, trash_k]).reshape(NW, K, CP)
    src3_agg = jnp.concatenate([src, zeros_a]).reshape(NW, KA, CA)
    dst3_agg = jnp.concatenate([dst, trash_a]).reshape(NW, KA, CA)

    ones_k = jnp.ones((CP, DEGW), dtype=jnp.float32)
    ones_a = jnp.ones((CA, DEGW), dtype=jnp.float32)
    zeros16 = jnp.zeros((NPAD, DEGW), dtype=jnp.float32)
    zeros_d = jnp.zeros((NPAD, D), dtype=jnp.float32)

    dd = _deg_kernel(src3_deg, ones_k, zeros16)

    h = _h_kernel(x, W, dd)

    part, cc = _agg_kernel(h, src3_agg, dst3_agg, ones_a, zeros_d, zeros16)

    return _ln_kernel(part, cc, b.reshape(1, D), gamma.reshape(1, D),
                      beta.reshape(1, D))

# --- scband reference (transcript-rebuilt; emitter-appended) ---
"""Pipeline reference for scband-gcnblock-32530082300346 (READ-ONLY COPY).

The authoritative reference and input builder live on the scoring server;
editing this copy changes nothing except your own understanding.
"""

import jax, jax.numpy as jnp
import numpy as np

N_NODES = 10000
N_EDGES = 320000
D_IN = 128
D_OUT = 128


def setup_inputs(seed: int = 0) -> dict:
    key = jax.random.key(seed)
    ks = jax.random.split(key, 6)
    x = jax.random.normal(ks[0], (N_NODES, D_IN), dtype=jnp.float32)
    adj = jax.random.randint(ks[1], (N_EDGES, 2), 0, N_NODES, dtype=jnp.int32)
    W = jax.random.normal(ks[2], (D_IN, D_OUT), dtype=jnp.float32) * (1.0 / np.sqrt(D_IN))
    b = jnp.zeros((D_OUT,), dtype=jnp.float32)
    gamma = jnp.ones((D_OUT,), dtype=jnp.float32)
    beta = jnp.zeros((D_OUT,), dtype=jnp.float32)
    return {"adj": adj, "x": x, "W": W, "b": b, "gamma": gamma, "beta": beta}


def reference(adj, x, W, b, gamma, beta):
    # CustomGCN: linear transform + symmetric-normalized neighborhood aggregation
    N = x.shape[0]
    src = adj[:, 0]
    dst = adj[:, 1]
    h = x @ W
    ones = jnp.ones((adj.shape[0],), dtype=x.dtype)
    deg_out = jax.ops.segment_sum(ones, src, num_segments=N)
    deg_in = jax.ops.segment_sum(ones, dst, num_segments=N)
    norm_s = jax.lax.rsqrt(jnp.maximum(deg_out, 1.0))
    norm_d = jax.lax.rsqrt(jnp.maximum(deg_in, 1.0))
    coeff = (norm_s[src] * norm_d[dst])[:, None]
    msg = h[src] * coeff  # gather (memory-bound)
    agg = jax.ops.segment_sum(msg, dst, num_segments=N) + b  # scatter-add
    # LayerNorm
    mean = jnp.mean(agg, axis=-1, keepdims=True)
    var = jnp.var(agg, axis=-1, keepdims=True)
    normed = (agg - mean) * jax.lax.rsqrt(var + 1e-5) * gamma + beta
    # ReLU; Dropout is identity in eval mode
    out = jax.nn.relu(normed)
    return out

if __name__ == "__main__":
    import jax
    _d = setup_inputs()
    print(jax.jit(kernel)(*tuple(_d.values())))

</pallas_src>

<mosaic_0001>
#map = affine_map<(d0, d1) -> (0, 0, 0)>
#map1 = affine_map<(d0, d1) -> (0, 0)>
module attributes {stable_mosaic.version = 14 : i64} {
  func.func @_deg_body(%arg0: i32, %arg1: i32, %arg2: memref<32x79x128xi32, #tpu.memory_space<hbm>>, %arg3: memref<128x16xf32, #tpu.memory_space<hbm>>, %arg4: memref<10112x16xf32, #tpu.memory_space<hbm>>, %arg5: memref<2x10112x16xf32, #tpu.memory_space<hbm>>, %arg6: memref<79x128xi32, #tpu.memory_space<vmem>>, %arg7: memref<128x16xf32, #tpu.memory_space<vmem>>, %arg8: memref<10112x16xf32, #tpu.memory_space<vmem_shared>>, %arg9: memref<!tpu.dma_semaphore, #tpu.memory_space<semaphore_mem>>) attributes {dimension_semantics = [#tpu.dimension_semantics<core_parallel>, #tpu.dimension_semantics<subcore_parallel>], iteration_bounds = array<i64: 2, 16>, scalar_prefetch = 0 : i64, scratch_operands = 4 : i64, tpu.core_type = #tpu.core_type<sc_vector_subcore>, window_params = [{transform_indices = #map}, {transform_indices = #map1}, {transform_indices = #map1}, {transform_indices = #map}]} {
    %mul3A = arith.constant 16 : i32
    %mul3A_0 = arith.muli %arg0, %mul3A : i32
    %add3A = arith.addi %mul3A_0, %arg1 : i32
    %mul3A_1 = arith.constant 632 : i32
    %mul3A_2 = arith.muli %arg1, %mul3A_1 : i32
    "tpu.region"() ({
      %run_scoped3A = tpu.sem_alloc : memref<!tpu.dma_semaphore, #tpu.memory_space<semaphore_mem>>
      %dma_start3A = arith.constant 0 : i32
      %dma_start3A_8 = tpu.memref_slice %arg8[%mul3A_2, %dma_start3A] : memref<10112x16xf32, #tpu.memory_space<vmem_shared>> -> memref<632x16xf32, #tpu.memory_space<vmem_shared>>
      %dma_start3A_9 = arith.constant 0 : i32
      %dma_start3A_10 = tpu.memref_slice %arg4[%mul3A_2, %dma_start3A_9] : memref<10112x16xf32, #tpu.memory_space<hbm>> -> memref<632x16xf32, #tpu.memory_space<hbm>>
      tpu.enqueue_dma source(%dma_start3A_10 : memref<632x16xf32, #tpu.memory_space<hbm>>) target(%dma_start3A_8 : memref<632x16xf32, #tpu.memory_space<vmem_shared>>) target_semaphore(%run_scoped3A : memref<!tpu.dma_semaphore, #tpu.memory_space<semaphore_mem>>)
      %dma_wait3A = arith.constant 0 : i32
      %dma_wait3A_11 = tpu.memref_slice %arg8[%mul3A_2, %dma_wait3A] : memref<10112x16xf32, #tpu.memory_space<vmem_shared>> -> memref<632x16xf32, #tpu.memory_space<vmem_shared>>
      %dma_wait3A_12 = arith.constant 0 : i32
      %dma_wait3A_13 = tpu.memref_slice %arg4[%mul3A_2, %dma_wait3A_12] : memref<10112x16xf32, #tpu.memory_space<hbm>> -> memref<632x16xf32, #tpu.memory_space<hbm>>
      tpu.wait_dma2 semaphore(%run_scoped3A : memref<!tpu.dma_semaphore, #tpu.memory_space<semaphore_mem>>) src(%dma_wait3A_13 : memref<632x16xf32, #tpu.memory_space<hbm>>) dst(%dma_wait3A_11 : memref<632x16xf32, #tpu.memory_space<vmem_shared>>)
      tpu.yield
    }) : () -> ()
    "tpu.region"() ({
      %run_scoped3A = tpu.sem_alloc : memref<!tpu.dma_semaphore, #tpu.memory_space<semaphore_mem>>
      %dma_start3A = arith.constant 0 : i32
      %dma_start3A_8 = arith.constant 0 : i32
      %dma_start3A_9 = tpu.memref_slice %arg2[%add3A, %dma_start3A, %dma_start3A_8] : memref<32x79x128xi32, #tpu.memory_space<hbm>> -> memref<1x79x128xi32, #tpu.memory_space<hbm>>
      %dma_start3A_10 = tpu.memref_squeeze %dma_start3A_9 : memref<1x79x128xi32, #tpu.memory_space<hbm>> -> memref<79x128xi32, #tpu.memory_space<hbm>>
      %dma_start3A_11 = arith.constant 0 : i32
      %dma_start3A_12 = arith.constant 0 : i32
      %dma_start3A_13 = tpu.memref_slice %arg2[%add3A, %dma_start3A_11, %dma_start3A_12] : memref<32x79x128xi32, #tpu.memory_space<hbm>> -> memref<1x79x128xi32, #tpu.memory_space<hbm>>
      %dma_start3A_14 = tpu.memref_squeeze %dma_start3A_13 : memref<1x79x128xi32, #tpu.memory_space<hbm>> -> memref<79x128xi32, #tpu.memory_space<hbm>>
      tpu.enqueue_dma source(%dma_start3A_14 : memref<79x128xi32, #tpu.memory_space<hbm>>) target(%arg6 : memref<79x128xi32, #tpu.memory_space<vmem>>) target_semaphore(%run_scoped3A : memref<!tpu.dma_semaphore, #tpu.memory_space<semaphore_mem>>)
      %dma_wait3A = arith.constant 0 : i32
      %dma_wait3A_15 = arith.constant 0 : i32
      %dma_wait3A_16 = tpu.memref_slice %arg2[%add3A, %dma_wait3A, %dma_wait3A_15] : memref<32x79x128xi32, #tpu.memory_space<hbm>> -> memref<1x79x128xi32, #tpu.memory_space<hbm>>
      %dma_wait3A_17 = tpu.memref_squeeze %dma_wait3A_16 : memref<1x79x128xi32, #tpu.memory_space<hbm>> -> memref<79x128xi32, #tpu.memory_space<hbm>>
      %dma_wait3A_18 = arith.constant 0 : i32
      %dma_wait3A_19 = arith.constant 0 : i32
      %dma_wait3A_20 = tpu.memref_slice %arg2[%add3A, %dma_wait3A_18, %dma_wait3A_19] : memref<32x79x128xi32, #tpu.memory_space<hbm>> -> memref<1x79x128xi32, #tpu.memory_space<hbm>>
      %dma_wait3A_21 = tpu.memref_squeeze %dma_wait3A_20 : memref<1x79x128xi32, #tpu.memory_space<hbm>> -> memref<79x128xi32, #tpu.memory_space<hbm>>
      tpu.wait_dma2 semaphore(%run_scoped3A : memref<!tpu.dma_semaphore, #tpu.memory_space<semaphore_mem>>) src(%dma_wait3A_21 : memref<79x128xi32, #tpu.memory_space<hbm>>) dst(%arg6 : memref<79x128xi32, #tpu.memory_space<vmem>>)
      tpu.yield
    }) : () -> ()
    "tpu.region"() ({
      %run_scoped3A = tpu.sem_alloc : memref<!tpu.dma_semaphore, #tpu.memory_space<semaphore_mem>>
      tpu.enqueue_dma source(%arg3 : memref<128x16xf32, #tpu.memory_space<hbm>>) target(%arg7 : memref<128x16xf32, #tpu.memory_space<vmem>>) target_semaphore(%run_scoped3A : memref<!tpu.dma_semaphore, #tpu.memory_space<semaphore_mem>>)
      tpu.wait_dma2 semaphore(%run_scoped3A : memref<!tpu.dma_semaphore, #tpu.memory_space<semaphore_mem>>) src(%arg3 : memref<128x16xf32, #tpu.memory_space<hbm>>) dst(%arg7 : memref<128x16xf32, #tpu.memory_space<vmem>>)
      tpu.yield
    }) : () -> ()
    %barrier3A = arith.constant 0 : index
    tpu.barrier barrier_id(%barrier3A)
    %scan3A = arith.constant 0 : i32
    %scan3A_3 = arith.constant 79 : i32
    %scan3A_4 = arith.addi %scan3A, %scan3A_3 : i32
    %scan3A_5 = arith.constant 1 : i32
    scf.for %scan3A_8 = %scan3A to %scan3A_4 step %scan3A_5  : i32 {
      "tpu.region"() ({
        %run_scoped3A = tpu.sem_alloc : memref<!tpu.dma_semaphore, #tpu.memory_space<semaphore_mem>>
        %dma_start3A = arith.constant 0 : i32
        %dma_start3A_9 = tpu.memref_slice %arg6[%scan3A_8, %dma_start3A] : memref<79x128xi32, #tpu.memory_space<vmem>> -> memref<1x128xi32, #tpu.memory_space<vmem>>
        %dma_start3A_10 = tpu.memref_squeeze %dma_start3A_9 : memref<1x128xi32, #tpu.memory_space<vmem>> -> memref<128xi32, #tpu.memory_space<vmem>>
        %dma_start3A_11 = arith.constant 0 : i32
        %dma_start3A_12 = arith.constant 0 : i32
        %dma_start3A_13 = tpu.memref_slice %arg8[%dma_start3A_11, %dma_start3A_12] : memref<10112x16xf32, #tpu.memory_space<vmem_shared>> -> memref<10112x16xf32, #tpu.memory_space<vmem_shared>>
        tpu.enqueue_indirect_dma source(%arg7 : memref<128x16xf32, #tpu.memory_space<vmem>>) target(%dma_start3A_13 : memref<10112x16xf32, #tpu.memory_space<vmem_shared>>) offsets(%dma_start3A_10 : memref<128xi32, #tpu.memory_space<vmem>>) semaphore(%run_scoped3A : memref<!tpu.dma_semaphore, #tpu.memory_space<semaphore_mem>>) {add = true}
        %dma_wait3A = arith.constant 0 : i32
        %dma_wait3A_14 = tpu.memref_slice %arg6[%scan3A_8, %dma_wait3A] : memref<79x128xi32, #tpu.memory_space<vmem>> -> memref<1x128xi32, #tpu.memory_space<vmem>>
        %dma_wait3A_15 = tpu.memref_squeeze %dma_wait3A_14 : memref<1x128xi32, #tpu.memory_space<vmem>> -> memref<128xi32, #tpu.memory_space<vmem>>
        %dma_wait3A_16 = arith.constant 0 : i32
        %dma_wait3A_17 = arith.constant 0 : i32
        %dma_wait3A_18 = tpu.memref_slice %arg8[%dma_wait3A_16, %dma_wait3A_17] : memref<10112x16xf32, #tpu.memory_space<vmem_shared>> -> memref<10112x16xf32, #tpu.memory_space<vmem_shared>>
        tpu.wait_indirect_dma semaphore(%run_scoped3A : memref<!tpu.dma_semaphore, #tpu.memory_space<semaphore_mem>>) src(%arg7 : memref<128x16xf32, #tpu.memory_space<vmem>>) dst(%dma_wait3A_18 : memref<10112x16xf32, #tpu.memory_space<vmem_shared>>)
        tpu.yield
      }) : () -> ()
    }
    %scan3A_6 = arith.constant 79 : i32
    %barrier3A_7 = arith.constant 0 : index
    tpu.barrier barrier_id(%barrier3A_7)
    "tpu.region"() ({
      %run_scoped3A = tpu.sem_alloc : memref<!tpu.dma_semaphore, #tpu.memory_space<semaphore_mem>>
      %dma_start3A = arith.constant 0 : i32
      %dma_start3A_8 = tpu.memref_slice %arg5[%arg0, %mul3A_2, %dma_start3A] : memref<2x10112x16xf32, #tpu.memory_space<hbm>> -> memref<1x632x16xf32, #tpu.memory_space<hbm>>
      %dma_start3A_9 = tpu.memref_squeeze %dma_start3A_8 : memref<1x632x16xf32, #tpu.memory_space<hbm>> -> memref<632x16xf32, #tpu.memory_space<hbm>>
      %dma_start3A_10 = arith.constant 0 : i32
      %dma_start3A_11 = tpu.memref_slice %arg8[%mul3A_2, %dma_start3A_10] : memref<10112x16xf32, #tpu.memory_space<vmem_shared>> -> memref<632x16xf32, #tpu.memory_space<vmem_shared>>
      tpu.enqueue_dma source(%dma_start3A_11 : memref<632x16xf32, #tpu.memory_space<vmem_shared>>) target(%dma_start3A_9 : memref<632x16xf32, #tpu.memory_space<hbm>>) target_semaphore(%run_scoped3A : memref<!tpu.dma_semaphore, #tpu.memory_space<semaphore_mem>>)
      %dma_wait3A = arith.constant 0 : i32
      %dma_wait3A_12 = tpu.memref_slice %arg5[%arg0, %mul3A_2, %dma_wait3A] : memref<2x10112x16xf32, #tpu.memory_space<hbm>> -> memref<1x632x16xf32, #tpu.memory_space<hbm>>
      %dma_wait3A_13 = tpu.memref_squeeze %dma_wait3A_12 : memref<1x632x16xf32, #tpu.memory_space<hbm>> -> memref<632x16xf32, #tpu.memory_space<hbm>>
      %dma_wait3A_14 = arith.constant 0 : i32
      %dma_wait3A_15 = tpu.memref_slice %arg8[%mul3A_2, %dma_wait3A_14] : memref<10112x16xf32, #tpu.memory_space<vmem_shared>> -> memref<632x16xf32, #tpu.memory_space<vmem_shared>>
      tpu.wait_dma2 semaphore(%run_scoped3A : memref<!tpu.dma_semaphore, #tpu.memory_space<semaphore_mem>>) src(%dma_wait3A_15 : memref<632x16xf32, #tpu.memory_space<vmem_shared>>) dst(%dma_wait3A_13 : memref<632x16xf32, #tpu.memory_space<hbm>>)
      tpu.yield
    }) : () -> ()
    return
  }
}

#map = affine_map<(d0, d1) -> (0, 0)>
#map1 = affine_map<(d0, d1) -> (0, 0, 0)>
module attributes {stable_mosaic.version = 14 : i64} {
  func.func @_agg_body(%arg0: i32, %arg1: i32, %arg2: memref<10000x128xf32, #tpu.memory_space<hbm>>, %arg3: memref<32x157x64xi32, #tpu.memory_space<hbm>>, %arg4: memref<32x157x64xi32, #tpu.memory_space<hbm>>, %arg5: memref<64x16xf32, #tpu.memory_space<hbm>>, %arg6: memref<10112x128xf32, #tpu.memory_space<hbm>>, %arg7: memref<10112x16xf32, #tpu.memory_space<hbm>>, %arg8: memref<2x10112x128xf32, #tpu.memory_space<hbm>>, %arg9: memref<2x10112x16xf32, #tpu.memory_space<hbm>>, %arg10: memref<157x64xi32, #tpu.memory_space<vmem>>, %arg11: memref<157x64xi32, #tpu.memory_space<vmem>>, %arg12: memref<64x128xf32, #tpu.memory_space<vmem>>, %arg13: memref<64x128xf32, #tpu.memory_space<vmem>>, %arg14: memref<64x16xf32, #tpu.memory_space<vmem>>, %arg15: memref<10112x128xf32, #tpu.memory_space<vmem_shared>>, %arg16: memref<10112x16xf32, #tpu.memory_space<vmem_shared>>, %arg17: memref<!tpu.dma_semaphore, #tpu.memory_space<semaphore_mem>>, %arg18: memref<!tpu.dma_semaphore, #tpu.memory_space<semaphore_mem>>, %arg19: memref<!tpu.dma_semaphore, #tpu.memory_space<semaphore_mem>>, %arg20: memref<!tpu.dma_semaphore, #tpu.memory_space<semaphore_mem>>, %arg21: memref<!tpu.dma_semaphore, #tpu.memory_space<semaphore_mem>>) attributes {dimension_semantics = [#tpu.dimension_semantics<core_parallel>, #tpu.dimension_semantics<subcore_parallel>], iteration_bounds = array<i64: 2, 16>, scalar_prefetch = 0 : i64, scratch_operands = 12 : i64, tpu.core_type = #tpu.core_type<sc_vector_subcore>, window_params = [{transform_indices = #map}, {transform_indices = #map1}, {transform_indices = #map1}, {transform_indices = #map}, {transform_indices = #map}, {transform_indices = #map}, {transform_indices = #map1}, {transform_indices = #map1}]} {
    %mul3A = arith.constant 16 : i32
    %mul3A_0 = arith.muli %arg0, %mul3A : i32
    %add3A = arith.addi %mul3A_0, %arg1 : i32
    %mul3A_1 = arith.constant 632 : i32
    %mul3A_2 = arith.muli %arg1, %mul3A_1 : i32
    "tpu.region"() ({
      %run_scoped3A_21 = tpu.sem_alloc : memref<!tpu.dma_semaphore, #tpu.memory_space<semaphore_mem>>
      %dma_start3A_22 = arith.constant 0 : i32
      %dma_start3A_23 = tpu.memref_slice %arg15[%mul3A_2, %dma_start3A_22] : memref<10112x128xf32, #tpu.memory_space<vmem_shared>> -> memref<632x128xf32, #tpu.memory_space<vmem_shared>>
      %dma_start3A_24 = arith.constant 0 : i32
      %dma_start3A_25 = tpu.memref_slice %arg6[%mul3A_2, %dma_start3A_24] : memref<10112x128xf32, #tpu.memory_space<hbm>> -> memref<632x128xf32, #tpu.memory_space<hbm>>
      tpu.enqueue_dma source(%dma_start3A_25 : memref<632x128xf32, #tpu.memory_space<hbm>>) target(%dma_start3A_23 : memref<632x128xf32, #tpu.memory_space<vmem_shared>>) target_semaphore(%run_scoped3A_21 : memref<!tpu.dma_semaphore, #tpu.memory_space<semaphore_mem>>)
      %dma_wait3A_26 = arith.constant 0 : i32
      %dma_wait3A_27 = tpu.memref_slice %arg15[%mul3A_2, %dma_wait3A_26] : memref<10112x128xf32, #tpu.memory_space<vmem_shared>> -> memref<632x128xf32, #tpu.memory_space<vmem_shared>>
      %dma_wait3A_28 = arith.constant 0 : i32
      %dma_wait3A_29 = tpu.memref_slice %arg6[%mul3A_2, %dma_wait3A_28] : memref<10112x128xf32, #tpu.memory_space<hbm>> -> memref<632x128xf32, #tpu.memory_space<hbm>>
      tpu.wait_dma2 semaphore(%run_scoped3A_21 : memref<!tpu.dma_semaphore, #tpu.memory_space<semaphore_mem>>) src(%dma_wait3A_29 : memref<632x128xf32, #tpu.memory_space<hbm>>) dst(%dma_wait3A_27 : memref<632x128xf32, #tpu.memory_space<vmem_shared>>)
      tpu.yield
    }) : () -> ()
    "tpu.region"() ({
      %run_scoped3A_21 = tpu.sem_alloc : memref<!tpu.dma_semaphore, #tpu.memory_space<semaphore_mem>>
      %dma_start3A_22 = arith.constant 0 : i32
      %dma_start3A_23 = tpu.memref_slice %arg16[%mul3A_2, %dma_start3A_22] : memref<10112x16xf32, #tpu.memory_space<vmem_shared>> -> memref<632x16xf32, #tpu.memory_space<vmem_shared>>
      %dma_start3A_24 = arith.constant 0 : i32
      %dma_start3A_25 = tpu.memref_slice %arg7[%mul3A_2, %dma_start3A_24] : memref<10112x16xf32, #tpu.memory_space<hbm>> -> memref<632x16xf32, #tpu.memory_space<hbm>>
      tpu.enqueue_dma source(%dma_start3A_25 : memref<632x16xf32, #tpu.memory_space<hbm>>) target(%dma_start3A_23 : memref<632x16xf32, #tpu.memory_space<vmem_shared>>) target_semaphore(%run_scoped3A_21 : memref<!tpu.dma_semaphore, #tpu.memory_space<semaphore_mem>>)
      %dma_wait3A_26 = arith.constant 0 : i32
      %dma_wait3A_27 = tpu.memref_slice %arg16[%mul3A_2, %dma_wait3A_26] : memref<10112x16xf32, #tpu.memory_space<vmem_shared>> -> memref<632x16xf32, #tpu.memory_space<vmem_shared>>
      %dma_wait3A_28 = arith.constant 0 : i32
      %dma_wait3A_29 = tpu.memref_slice %arg7[%mul3A_2, %dma_wait3A_28] : memref<10112x16xf32, #tpu.memory_space<hbm>> -> memref<632x16xf32, #tpu.memory_space<hbm>>
      tpu.wait_dma2 semaphore(%run_scoped3A_21 : memref<!tpu.dma_semaphore, #tpu.memory_space<semaphore_mem>>) src(%dma_wait3A_29 : memref<632x16xf32, #tpu.memory_space<hbm>>) dst(%dma_wait3A_27 : memref<632x16xf32, #tpu.memory_space<vmem_shared>>)
      tpu.yield
    }) : () -> ()
    "tpu.region"() ({
      %run_scoped3A_21 = tpu.sem_alloc : memref<!tpu.dma_semaphore, #tpu.memory_space<semaphore_mem>>
      %dma_start3A_22 = arith.constant 0 : i32
      %dma_start3A_23 = arith.constant 0 : i32
      %dma_start3A_24 = tpu.memref_slice %arg3[%add3A, %dma_start3A_22, %dma_start3A_23] : memref<32x157x64xi32, #tpu.memory_space<hbm>> -> memref<1x157x64xi32, #tpu.memory_space<hbm>>
      %dma_start3A_25 = tpu.memref_squeeze %dma_start3A_24 : memref<1x157x64xi32, #tpu.memory_space<hbm>> -> memref<157x64xi32, #tpu.memory_space<hbm>>
      %dma_start3A_26 = arith.constant 0 : i32
      %dma_start3A_27 = arith.constant 0 : i32
      %dma_start3A_28 = tpu.memref_slice %arg3[%add3A, %dma_start3A_26, %dma_start3A_27] : memref<32x157x64xi32, #tpu.memory_space<hbm>> -> memref<1x157x64xi32, #tpu.memory_space<hbm>>
      %dma_start3A_29 = tpu.memref_squeeze %dma_start3A_28 : memref<1x157x64xi32, #tpu.memory_space<hbm>> -> memref<157x64xi32, #tpu.memory_space<hbm>>
      tpu.enqueue_dma source(%dma_start3A_29 : memref<157x64xi32, #tpu.memory_space<hbm>>) target(%arg10 : memref<157x64xi32, #tpu.memory_space<vmem>>) target_semaphore(%run_scoped3A_21 : memref<!tpu.dma_semaphore, #tpu.memory_space<semaphore_mem>>)
      %dma_wait3A_30 = arith.constant 0 : i32
      %dma_wait3A_31 = arith.constant 0 : i32
      %dma_wait3A_32 = tpu.memref_slice %arg3[%add3A, %dma_wait3A_30, %dma_wait3A_31] : memref<32x157x64xi32, #tpu.memory_space<hbm>> -> memref<1x157x64xi32, #tpu.memory_space<hbm>>
      %dma_wait3A_33 = tpu.memref_squeeze %dma_wait3A_32 : memref<1x157x64xi32, #tpu.memory_space<hbm>> -> memref<157x64xi32, #tpu.memory_space<hbm>>
      %dma_wait3A_34 = arith.constant 0 : i32
      %dma_wait3A_35 = arith.constant 0 : i32
      %dma_wait3A_36 = tpu.memref_slice %arg3[%add3A, %dma_wait3A_34, %dma_wait3A_35] : memref<32x157x64xi32, #tpu.memory_space<hbm>> -> memref<1x157x64xi32, #tpu.memory_space<hbm>>
      %dma_wait3A_37 = tpu.memref_squeeze %dma_wait3A_36 : memref<1x157x64xi32, #tpu.memory_space<hbm>> -> memref<157x64xi32, #tpu.memory_space<hbm>>
      tpu.wait_dma2 semaphore(%run_scoped3A_21 : memref<!tpu.dma_semaphore, #tpu.memory_space<semaphore_mem>>) src(%dma_wait3A_37 : memref<157x64xi32, #tpu.memory_space<hbm>>) dst(%arg10 : memref<157x64xi32, #tpu.memory_space<vmem>>)
      tpu.yield
    }) : () -> ()
    "tpu.region"() ({
      %run_scoped3A_21 = tpu.sem_alloc : memref<!tpu.dma_semaphore, #tpu.memory_space<semaphore_mem>>
      %dma_start3A_22 = arith.constant 0 : i32
      %dma_start3A_23 = arith.constant 0 : i32
      %dma_start3A_24 = tpu.memref_slice %arg4[%add3A, %dma_start3A_22, %dma_start3A_23] : memref<32x157x64xi32, #tpu.memory_space<hbm>> -> memref<1x157x64xi32, #tpu.memory_space<hbm>>
      %dma_start3A_25 = tpu.memref_squeeze %dma_start3A_24 : memref<1x157x64xi32, #tpu.memory_space<hbm>> -> memref<157x64xi32, #tpu.memory_space<hbm>>
      %dma_start3A_26 = arith.constant 0 : i32
      %dma_start3A_27 = arith.constant 0 : i32
      %dma_start3A_28 = tpu.memref_slice %arg4[%add3A, %dma_start3A_26, %dma_start3A_27] : memref<32x157x64xi32, #tpu.memory_space<hbm>> -> memref<1x157x64xi32, #tpu.memory_space<hbm>>
      %dma_start3A_29 = tpu.memref_squeeze %dma_start3A_28 : memref<1x157x64xi32, #tpu.memory_space<hbm>> -> memref<157x64xi32, #tpu.memory_space<hbm>>
      tpu.enqueue_dma source(%dma_start3A_29 : memref<157x64xi32, #tpu.memory_space<hbm>>) target(%arg11 : memref<157x64xi32, #tpu.memory_space<vmem>>) target_semaphore(%run_scoped3A_21 : memref<!tpu.dma_semaphore, #tpu.memory_space<semaphore_mem>>)
      %dma_wait3A_30 = arith.constant 0 : i32
      %dma_wait3A_31 = arith.constant 0 : i32
      %dma_wait3A_32 = tpu.memref_slice %arg4[%add3A, %dma_wait3A_30, %dma_wait3A_31] : memref<32x157x64xi32, #tpu.memory_space<hbm>> -> memref<1x157x64xi32, #tpu.memory_space<hbm>>
      %dma_wait3A_33 = tpu.memref_squeeze %dma_wait3A_32 : memref<1x157x64xi32, #tpu.memory_space<hbm>> -> memref<157x64xi32, #tpu.memory_space<hbm>>
      %dma_wait3A_34 = arith.constant 0 : i32
      %dma_wait3A_35 = arith.constant 0 : i32
      %dma_wait3A_36 = tpu.memref_slice %arg4[%add3A, %dma_wait3A_34, %dma_wait3A_35] : memref<32x157x64xi32, #tpu.memory_space<hbm>> -> memref<1x157x64xi32, #tpu.memory_space<hbm>>
      %dma_wait3A_37 = tpu.memref_squeeze %dma_wait3A_36 : memref<1x157x64xi32, #tpu.memory_space<hbm>> -> memref<157x64xi32, #tpu.memory_space<hbm>>
      tpu.wait_dma2 semaphore(%run_scoped3A_21 : memref<!tpu.dma_semaphore, #tpu.memory_space<semaphore_mem>>) src(%dma_wait3A_37 : memref<157x64xi32, #tpu.memory_space<hbm>>) dst(%arg11 : memref<157x64xi32, #tpu.memory_space<vmem>>)
      tpu.yield
    }) : () -> ()
    "tpu.region"() ({
      %run_scoped3A_21 = tpu.sem_alloc : memref<!tpu.dma_semaphore, #tpu.memory_space<semaphore_mem>>
      tpu.enqueue_dma source(%arg5 : memref<64x16xf32, #tpu.memory_space<hbm>>) target(%arg14 : memref<64x16xf32, #tpu.memory_space<vmem>>) target_semaphore(%run_scoped3A_21 : memref<!tpu.dma_semaphore, #tpu.memory_space<semaphore_mem>>)
      tpu.wait_dma2 semaphore(%run_scoped3A_21 : memref<!tpu.dma_semaphore, #tpu.memory_space<semaphore_mem>>) src(%arg5 : memref<64x16xf32, #tpu.memory_space<hbm>>) dst(%arg14 : memref<64x16xf32, #tpu.memory_space<vmem>>)
      tpu.yield
    }) : () -> ()
    %barrier3A = arith.constant 0 : index
    tpu.barrier barrier_id(%barrier3A)
    %dma_start3A = arith.constant 0 : i32
    %dma_start3A_3 = arith.constant 0 : i32
    %dma_start3A_4 = tpu.memref_slice %arg10[%dma_start3A, %dma_start3A_3] : memref<157x64xi32, #tpu.memory_space<vmem>> -> memref<1x64xi32, #tpu.memory_space<vmem>>
    %dma_start3A_5 = tpu.memref_squeeze %dma_start3A_4 : memref<1x64xi32, #tpu.memory_space<vmem>> -> memref<64xi32, #tpu.memory_space<vmem>>
    %dma_start3A_6 = arith.constant 0 : i32
    %dma_start3A_7 = arith.constant 0 : i32
    %dma_start3A_8 = tpu.memref_slice %arg2[%dma_start3A_6, %dma_start3A_7] : memref<10000x128xf32, #tpu.memory_space<hbm>> -> memref<10000x128xf32, #tpu.memory_space<hbm>>
    tpu.enqueue_indirect_dma source(%dma_start3A_8 : memref<10000x128xf32, #tpu.memory_space<hbm>>) target(%arg12 : memref<64x128xf32, #tpu.memory_space<vmem>>) offsets(%dma_start3A_5 : memref<64xi32, #tpu.memory_space<vmem>>) semaphore(%arg17 : memref<!tpu.dma_semaphore, #tpu.memory_space<semaphore_mem>>)
    %scan3A = arith.constant 0 : i32
    %scan3A_9 = arith.constant 78 : i32
    %scan3A_10 = arith.addi %scan3A, %scan3A_9 : i32
    %scan3A_11 = arith.constant 1 : i32
    scf.for %scan3A_21 = %scan3A to %scan3A_10 step %scan3A_11  : i32 {
      %mul3A_22 = arith.constant 2 : i32
      %mul3A_23 = arith.muli %mul3A_22, %scan3A_21 : i32
      %add3A_24 = arith.constant 1 : i32
      %add3A_25 = arith.addi %mul3A_23, %add3A_24 : i32
      %dma_start3A_26 = arith.constant 0 : i32
      %dma_start3A_27 = tpu.memref_slice %arg10[%add3A_25, %dma_start3A_26] : memref<157x64xi32, #tpu.memory_space<vmem>> -> memref<1x64xi32, #tpu.memory_space<vmem>>
      %dma_start3A_28 = tpu.memref_squeeze %dma_start3A_27 : memref<1x64xi32, #tpu.memory_space<vmem>> -> memref<64xi32, #tpu.memory_space<vmem>>
      %dma_start3A_29 = arith.constant 0 : i32
      %dma_start3A_30 = arith.constant 0 : i32
      %dma_start3A_31 = tpu.memref_slice %arg2[%dma_start3A_29, %dma_start3A_30] : memref<10000x128xf32, #tpu.memory_space<hbm>> -> memref<10000x128xf32, #tpu.memory_space<hbm>>
      tpu.enqueue_indirect_dma source(%dma_start3A_31 : memref<10000x128xf32, #tpu.memory_space<hbm>>) target(%arg13 : memref<64x128xf32, #tpu.memory_space<vmem>>) offsets(%dma_start3A_28 : memref<64xi32, #tpu.memory_space<vmem>>) semaphore(%arg18 : memref<!tpu.dma_semaphore, #tpu.memory_space<semaphore_mem>>)
      %dma_start3A_32 = arith.constant 0 : i32
      %dma_start3A_33 = tpu.memref_slice %arg11[%mul3A_23, %dma_start3A_32] : memref<157x64xi32, #tpu.memory_space<vmem>> -> memref<1x64xi32, #tpu.memory_space<vmem>>
      %dma_start3A_34 = tpu.memref_squeeze %dma_start3A_33 : memref<1x64xi32, #tpu.memory_space<vmem>> -> memref<64xi32, #tpu.memory_space<vmem>>
      %dma_start3A_35 = arith.constant 0 : i32
      %dma_start3A_36 = arith.constant 0 : i32
      %dma_start3A_37 = tpu.memref_slice %arg16[%dma_start3A_35, %dma_start3A_36] : memref<10112x16xf32, #tpu.memory_space<vmem_shared>> -> memref<10112x16xf32, #tpu.memory_space<vmem_shared>>
      tpu.enqueue_indirect_dma source(%arg14 : memref<64x16xf32, #tpu.memory_space<vmem>>) target(%dma_start3A_37 : memref<10112x16xf32, #tpu.memory_space<vmem_shared>>) offsets(%dma_start3A_34 : memref<64xi32, #tpu.memory_space<vmem>>) semaphore(%arg21 : memref<!tpu.dma_semaphore, #tpu.memory_space<semaphore_mem>>) {add = true}
      %dma_wait3A_38 = arith.constant 0 : i32
      %dma_wait3A_39 = tpu.memref_slice %arg10[%mul3A_23, %dma_wait3A_38] : memref<157x64xi32, #tpu.memory_space<vmem>> -> memref<1x64xi32, #tpu.memory_space<vmem>>
      %dma_wait3A_40 = tpu.memref_squeeze %dma_wait3A_39 : memref<1x64xi32, #tpu.memory_space<vmem>> -> memref<64xi32, #tpu.memory_space<vmem>>
      %dma_wait3A_41 = arith.constant 0 : i32
      %dma_wait3A_42 = arith.constant 0 : i32
      %dma_wait3A_43 = tpu.memref_slice %arg2[%dma_wait3A_41, %dma_wait3A_42] : memref<10000x128xf32, #tpu.memory_space<hbm>> -> memref<10000x128xf32, #tpu.memory_space<hbm>>
      tpu.wait_indirect_dma semaphore(%arg17 : memref<!tpu.dma_semaphore, #tpu.memory_space<semaphore_mem>>) src(%dma_wait3A_43 : memref<10000x128xf32, #tpu.memory_space<hbm>>) dst(%arg12 : memref<64x128xf32, #tpu.memory_space<vmem>>)
      %dma_start3A_44 = arith.constant 0 : i32
      %dma_start3A_45 = tpu.memref_slice %arg11[%mul3A_23, %dma_start3A_44] : memref<157x64xi32, #tpu.memory_space<vmem>> -> memref<1x64xi32, #tpu.memory_space<vmem>>
      %dma_start3A_46 = tpu.memref_squeeze %dma_start3A_45 : memref<1x64xi32, #tpu.memory_space<vmem>> -> memref<64xi32, #tpu.memory_space<vmem>>
      %dma_start3A_47 = arith.constant 0 : i32
      %dma_start3A_48 = arith.constant 0 : i32
      %dma_start3A_49 = tpu.memref_slice %arg15[%dma_start3A_47, %dma_start3A_48] : memref<10112x128xf32, #tpu.memory_space<vmem_shared>> -> memref<10112x128xf32, #tpu.memory_space<vmem_shared>>
      tpu.enqueue_indirect_dma source(%arg12 : memref<64x128xf32, #tpu.memory_space<vmem>>) target(%dma_start3A_49 : memref<10112x128xf32, #tpu.memory_space<vmem_shared>>) offsets(%dma_start3A_46 : memref<64xi32, #tpu.memory_space<vmem>>) semaphore(%arg19 : memref<!tpu.dma_semaphore, #tpu.memory_space<semaphore_mem>>) {add = true}
      %dma_wait3A_50 = arith.constant 0 : i32
      %dma_wait3A_51 = tpu.memref_slice %arg11[%mul3A_23, %dma_wait3A_50] : memref<157x64xi32, #tpu.memory_space<vmem>> -> memref<1x64xi32, #tpu.memory_space<vmem>>
      %dma_wait3A_52 = tpu.memref_squeeze %dma_wait3A_51 : memref<1x64xi32, #tpu.memory_space<vmem>> -> memref<64xi32, #tpu.memory_space<vmem>>
      %dma_wait3A_53 = arith.constant 0 : i32
      %dma_wait3A_54 = arith.constant 0 : i32
      %dma_wait3A_55 = tpu.memref_slice %arg16[%dma_wait3A_53, %dma_wait3A_54] : memref<10112x16xf32, #tpu.memory_space<vmem_shared>> -> memref<10112x16xf32, #tpu.memory_space<vmem_shared>>
      tpu.wait_indirect_dma semaphore(%arg21 : memref<!tpu.dma_semaphore, #tpu.memory_space<semaphore_mem>>) src(%arg14 : memref<64x16xf32, #tpu.memory_space<vmem>>) dst(%dma_wait3A_55 : memref<10112x16xf32, #tpu.memory_space<vmem_shared>>)
      %add3A_56 = arith.constant 1 : i32
      %add3A_57 = arith.addi %mul3A_23, %add3A_56 : i32
      %dma_start3A_58 = arith.constant 0 : i32
      %dma_start3A_59 = tpu.memref_slice %arg11[%add3A_57, %dma_start3A_58] : memref<157x64xi32, #tpu.memory_space<vmem>> -> memref<1x64xi32, #tpu.memory_space<vmem>>
      %dma_start3A_60 = tpu.memref_squeeze %dma_start3A_59 : memref<1x64xi32, #tpu.memory_space<vmem>> -> memref<64xi32, #tpu.memory_space<vmem>>
      %dma_start3A_61 = arith.constant 0 : i32
      %dma_start3A_62 = arith.constant 0 : i32
      %dma_start3A_63 = tpu.memref_slice %arg16[%dma_start3A_61, %dma_start3A_62] : memref<10112x16xf32, #tpu.memory_space<vmem_shared>> -> memref<10112x16xf32, #tpu.memory_space<vmem_shared>>
      tpu.enqueue_indirect_dma source(%arg14 : memref<64x16xf32, #tpu.memory_space<vmem>>) target(%dma_start3A_63 : memref<10112x16xf32, #tpu.memory_space<vmem_shared>>) offsets(%dma_start3A_60 : memref<64xi32, #tpu.memory_space<vmem>>) semaphore(%arg21 : memref<!tpu.dma_semaphore, #tpu.memory_space<semaphore_mem>>) {add = true}
      %dma_wait3A_64 = arith.constant 0 : i32
      %dma_wait3A_65 = tpu.memref_slice %arg11[%mul3A_23, %dma_wait3A_64] : memref<157x64xi32, #tpu.memory_space<vmem>> -> memref<1x64xi32, #tpu.memory_space<vmem>>
      %dma_wait3A_66 = tpu.memref_squeeze %dma_wait3A_65 : memref<1x64xi32, #tpu.memory_space<vmem>> -> memref<64xi32, #tpu.memory_space<vmem>>
      %dma_wait3A_67 = arith.constant 0 : i32
      %dma_wait3A_68 = arith.constant 0 : i32
      %dma_wait3A_69 = tpu.memref_slice %arg15[%dma_wait3A_67, %dma_wait3A_68] : memref<10112x128xf32, #tpu.memory_space<vmem_shared>> -> memref<10112x128xf32, #tpu.memory_space<vmem_shared>>
      tpu.wait_indirect_dma semaphore(%arg19 : memref<!tpu.dma_semaphore, #tpu.memory_space<semaphore_mem>>) src(%arg12 : memref<64x128xf32, #tpu.memory_space<vmem>>) dst(%dma_wait3A_69 : memref<10112x128xf32, #tpu.memory_space<vmem_shared>>)
      %add3A_70 = arith.constant 2 : i32
      %add3A_71 = arith.addi %mul3A_23, %add3A_70 : i32
      %dma_start3A_72 = arith.constant 0 : i32
      %dma_start3A_73 = tpu.memref_slice %arg10[%add3A_71, %dma_start3A_72] : memref<157x64xi32, #tpu.memory_space<vmem>> -> memref<1x64xi32, #tpu.memory_space<vmem>>
      %dma_start3A_74 = tpu.memref_squeeze %dma_start3A_73 : memref<1x64xi32, #tpu.memory_space<vmem>> -> memref<64xi32, #tpu.memory_space<vmem>>
      %dma_start3A_75 = arith.constant 0 : i32
      %dma_start3A_76 = arith.constant 0 : i32
      %dma_start3A_77 = tpu.memref_slice %arg2[%dma_start3A_75, %dma_start3A_76] : memref<10000x128xf32, #tpu.memory_space<hbm>> -> memref<10000x128xf32, #tpu.memory_space<hbm>>
      tpu.enqueue_indirect_dma source(%dma_start3A_77 : memref<10000x128xf32, #tpu.memory_space<hbm>>) target(%arg12 : memref<64x128xf32, #tpu.memory_space<vmem>>) offsets(%dma_start3A_74 : memref<64xi32, #tpu.memory_space<vmem>>) semaphore(%arg17 : memref<!tpu.dma_semaphore, #tpu.memory_space<semaphore_mem>>)
      %add3A_78 = arith.constant 1 : i32
      %add3A_79 = arith.addi %mul3A_23, %add3A_78 : i32
      %dma_wait3A_80 = arith.constant 0 : i32
      %dma_wait3A_81 = tpu.memref_slice %arg10[%add3A_79, %dma_wait3A_80] : memref<157x64xi32, #tpu.memory_space<vmem>> -> memref<1x64xi32, #tpu.memory_space<vmem>>
      %dma_wait3A_82 = tpu.memref_squeeze %dma_wait3A_81 : memref<1x64xi32, #tpu.memory_space<vmem>> -> memref<64xi32, #tpu.memory_space<vmem>>
      %dma_wait3A_83 = arith.constant 0 : i32
      %dma_wait3A_84 = arith.constant 0 : i32
      %dma_wait3A_85 = tpu.memref_slice %arg2[%dma_wait3A_83, %dma_wait3A_84] : memref<10000x128xf32, #tpu.memory_space<hbm>> -> memref<10000x128xf32, #tpu.memory_space<hbm>>
      tpu.wait_indirect_dma semaphore(%arg18 : memref<!tpu.dma_semaphore, #tpu.memory_space<semaphore_mem>>) src(%dma_wait3A_85 : memref<10000x128xf32, #tpu.memory_space<hbm>>) dst(%arg13 : memref<64x128xf32, #tpu.memory_space<vmem>>)
      %add3A_86 = arith.constant 1 : i32
      %add3A_87 = arith.addi %mul3A_23, %add3A_86 : i32
      %dma_start3A_88 = arith.constant 0 : i32
      %dma_start3A_89 = tpu.memref_slice %arg11[%add3A_87, %dma_start3A_88] : memref<157x64xi32, #tpu.memory_space<vmem>> -> memref<1x64xi32, #tpu.memory_space<vmem>>
      %dma_start3A_90 = tpu.memref_squeeze %dma_start3A_89 : memref<1x64xi32, #tpu.memory_space<vmem>> -> memref<64xi32, #tpu.memory_space<vmem>>
      %dma_start3A_91 = arith.constant 0 : i32
      %dma_start3A_92 = arith.constant 0 : i32
      %dma_start3A_93 = tpu.memref_slice %arg15[%dma_start3A_91, %dma_start3A_92] : memref<10112x128xf32, #tpu.memory_space<vmem_shared>> -> memref<10112x128xf32, #tpu.memory_space<vmem_shared>>
      tpu.enqueue_indirect_dma source(%arg13 : memref<64x128xf32, #tpu.memory_space<vmem>>) target(%dma_start3A_93 : memref<10112x128xf32, #tpu.memory_space<vmem_shared>>) offsets(%dma_start3A_90 : memref<64xi32, #tpu.memory_space<vmem>>) semaphore(%arg20 : memref<!tpu.dma_semaphore, #tpu.memory_space<semaphore_mem>>) {add = true}
      %add3A_94 = arith.constant 1 : i32
      %add3A_95 = arith.addi %mul3A_23, %add3A_94 : i32
      %dma_wait3A_96 = arith.constant 0 : i32
      %dma_wait3A_97 = tpu.memref_slice %arg11[%add3A_95, %dma_wait3A_96] : memref<157x64xi32, #tpu.memory_space<vmem>> -> memref<1x64xi32, #tpu.memory_space<vmem>>
      %dma_wait3A_98 = tpu.memref_squeeze %dma_wait3A_97 : memref<1x64xi32, #tpu.memory_space<vmem>> -> memref<64xi32, #tpu.memory_space<vmem>>
      %dma_wait3A_99 = arith.constant 0 : i32
      %dma_wait3A_100 = arith.constant 0 : i32
      %dma_wait3A_101 = tpu.memref_slice %arg16[%dma_wait3A_99, %dma_wait3A_100] : memref<10112x16xf32, #tpu.memory_space<vmem_shared>> -> memref<10112x16xf32, #tpu.memory_space<vmem_shared>>
      tpu.wait_indirect_dma semaphore(%arg21 : memref<!tpu.dma_semaphore, #tpu.memory_space<semaphore_mem>>) src(%arg14 : memref<64x16xf32, #tpu.memory_space<vmem>>) dst(%dma_wait3A_101 : memref<10112x16xf32, #tpu.memory_space<vmem_shared>>)
      %add3A_102 = arith.constant 1 : i32
      %add3A_103 = arith.addi %mul3A_23, %add3A_102 : i32
      %dma_wait3A_104 = arith.constant 0 : i32
      %dma_wait3A_105 = tpu.memref_slice %arg11[%add3A_103, %dma_wait3A_104] : memref<157x64xi32, #tpu.memory_space<vmem>> -> memref<1x64xi32, #tpu.memory_space<vmem>>
      %dma_wait3A_106 = tpu.memref_squeeze %dma_wait3A_105 : memref<1x64xi32, #tpu.memory_space<vmem>> -> memref<64xi32, #tpu.memory_space<vmem>>
      %dma_wait3A_107 = arith.constant 0 : i32
      %dma_wait3A_108 = arith.constant 0 : i32
      %dma_wait3A_109 = tpu.memref_slice %arg15[%dma_wait3A_107, %dma_wait3A_108] : memref<10112x128xf32, #tpu.memory_space<vmem_shared>> -> memref<10112x128xf32, #tpu.memory_space<vmem_shared>>
      tpu.wait_indirect_dma semaphore(%arg20 : memref<!tpu.dma_semaphore, #tpu.memory_space<semaphore_mem>>) src(%arg13 : memref<64x128xf32, #tpu.memory_space<vmem>>) dst(%dma_wait3A_109 : memref<10112x128xf32, #tpu.memory_space<vmem_shared>>)
    }
    %scan3A_12 = arith.constant 78 : i32
    %dma_wait3A = arith.constant 156 : i32
    %dma_wait3A_13 = arith.constant 0 : i32
    %dma_wait3A_14 = tpu.memref_slice %arg10[%dma_wait3A, %dma_wait3A_13] : memref<157x64xi32, #tpu.memory_space<vmem>> -> memref<1x64xi32, #tpu.memory_space<vmem>>
    %dma_wait3A_15 = tpu.memref_squeeze %dma_wait3A_14 : memref<1x64xi32, #tpu.memory_space<vmem>> -> memref<64xi32, #tpu.memory_space<vmem>>
    %dma_wait3A_16 = arith.constant 0 : i32
    %dma_wait3A_17 = arith.constant 0 : i32
    %dma_wait3A_18 = tpu.memref_slice %arg2[%dma_wait3A_16, %dma_wait3A_17] : memref<10000x128xf32, #tpu.memory_space<hbm>> -> memref<10000x128xf32, #tpu.memory_space<hbm>>
    tpu.wait_indirect_dma semaphore(%arg17 : memref<!tpu.dma_semaphore, #tpu.memory_space<semaphore_mem>>) src(%dma_wait3A_18 : memref<10000x128xf32, #tpu.memory_space<hbm>>) dst(%arg12 : memref<64x128xf32, #tpu.memory_space<vmem>>)
    %run_scoped3A = arith.constant 156 : i32
    "tpu.region"() ({
      %run_scoped3A_21 = tpu.sem_alloc : memref<!tpu.dma_semaphore, #tpu.memory_space<semaphore_mem>>
      %dma_start3A_22 = arith.constant 0 : i32
      %dma_start3A_23 = tpu.memref_slice %arg11[%run_scoped3A, %dma_start3A_22] : memref<157x64xi32, #tpu.memory_space<vmem>> -> memref<1x64xi32, #tpu.memory_space<vmem>>
      %dma_start3A_24 = tpu.memref_squeeze %dma_start3A_23 : memref<1x64xi32, #tpu.memory_space<vmem>> -> memref<64xi32, #tpu.memory_space<vmem>>
      %dma_start3A_25 = arith.constant 0 : i32
      %dma_start3A_26 = arith.constant 0 : i32
      %dma_start3A_27 = tpu.memref_slice %arg15[%dma_start3A_25, %dma_start3A_26] : memref<10112x128xf32, #tpu.memory_space<vmem_shared>> -> memref<10112x128xf32, #tpu.memory_space<vmem_shared>>
      tpu.enqueue_indirect_dma source(%arg12 : memref<64x128xf32, #tpu.memory_space<vmem>>) target(%dma_start3A_27 : memref<10112x128xf32, #tpu.memory_space<vmem_shared>>) offsets(%dma_start3A_24 : memref<64xi32, #tpu.memory_space<vmem>>) semaphore(%run_scoped3A_21 : memref<!tpu.dma_semaphore, #tpu.memory_space<semaphore_mem>>) {add = true}
      %dma_wait3A_28 = arith.constant 0 : i32
      %dma_wait3A_29 = tpu.memref_slice %arg11[%run_scoped3A, %dma_wait3A_28] : memref<157x64xi32, #tpu.memory_space<vmem>> -> memref<1x64xi32, #tpu.memory_space<vmem>>
      %dma_wait3A_30 = tpu.memref_squeeze %dma_wait3A_29 : memref<1x64xi32, #tpu.memory_space<vmem>> -> memref<64xi32, #tpu.memory_space<vmem>>
      %dma_wait3A_31 = arith.constant 0 : i32
      %dma_wait3A_32 = arith.constant 0 : i32
      %dma_wait3A_33 = tpu.memref_slice %arg15[%dma_wait3A_31, %dma_wait3A_32] : memref<10112x128xf32, #tpu.memory_space<vmem_shared>> -> memref<10112x128xf32, #tpu.memory_space<vmem_shared>>
      tpu.wait_indirect_dma semaphore(%run_scoped3A_21 : memref<!tpu.dma_semaphore, #tpu.memory_space<semaphore_mem>>) src(%arg12 : memref<64x128xf32, #tpu.memory_space<vmem>>) dst(%dma_wait3A_33 : memref<10112x128xf32, #tpu.memory_space<vmem_shared>>)
      tpu.yield
    }) : () -> ()
    %run_scoped3A_19 = arith.constant 156 : i32
    "tpu.region"() ({
      %run_scoped3A_21 = tpu.sem_alloc : memref<!tpu.dma_semaphore, #tpu.memory_space<semaphore_mem>>
      %dma_start3A_22 = arith.constant 0 : i32
      %dma_start3A_23 = tpu.memref_slice %arg11[%run_scoped3A_19, %dma_start3A_22] : memref<157x64xi32, #tpu.memory_space<vmem>> -> memref<1x64xi32, #tpu.memory_space<vmem>>
      %dma_start3A_24 = tpu.memref_squeeze %dma_start3A_23 : memref<1x64xi32, #tpu.memory_space<vmem>> -> memref<64xi32, #tpu.memory_space<vmem>>
      %dma_start3A_25 = arith.constant 0 : i32
      %dma_start3A_26 = arith.constant 0 : i32
      %dma_start3A_27 = tpu.memref_slice %arg16[%dma_start3A_25, %dma_start3A_26] : memref<10112x16xf32, #tpu.memory_space<vmem_shared>> -> memref<10112x16xf32, #tpu.memory_space<vmem_shared>>
      tpu.enqueue_indirect_dma source(%arg14 : memref<64x16xf32, #tpu.memory_space<vmem>>) target(%dma_start3A_27 : memref<10112x16xf32, #tpu.memory_space<vmem_shared>>) offsets(%dma_start3A_24 : memref<64xi32, #tpu.memory_space<vmem>>) semaphore(%run_scoped3A_21 : memref<!tpu.dma_semaphore, #tpu.memory_space<semaphore_mem>>) {add = true}
      %dma_wait3A_28 = arith.constant 0 : i32
      %dma_wait3A_29 = tpu.memref_slice %arg11[%run_scoped3A_19, %dma_wait3A_28] : memref<157x64xi32, #tpu.memory_space<vmem>> -> memref<1x64xi32, #tpu.memory_space<vmem>>
      %dma_wait3A_30 = tpu.memref_squeeze %dma_wait3A_29 : memref<1x64xi32, #tpu.memory_space<vmem>> -> memref<64xi32, #tpu.memory_space<vmem>>
      %dma_wait3A_31 = arith.constant 0 : i32
      %dma_wait3A_32 = arith.constant 0 : i32
      %dma_wait3A_33 = tpu.memref_slice %arg16[%dma_wait3A_31, %dma_wait3A_32] : memref<10112x16xf32, #tpu.memory_space<vmem_shared>> -> memref<10112x16xf32, #tpu.memory_space<vmem_shared>>
      tpu.wait_indirect_dma semaphore(%run_scoped3A_21 : memref<!tpu.dma_semaphore, #tpu.memory_space<semaphore_mem>>) src(%arg14 : memref<64x16xf32, #tpu.memory_space<vmem>>) dst(%dma_wait3A_33 : memref<10112x16xf32, #tpu.memory_space<vmem_shared>>)
      tpu.yield
    }) : () -> ()
    %barrier3A_20 = arith.constant 0 : index
    tpu.barrier barrier_id(%barrier3A_20)
    "tpu.region"() ({
      %run_scoped3A_21 = tpu.sem_alloc : memref<!tpu.dma_semaphore, #tpu.memory_space<semaphore_mem>>
      %dma_start3A_22 = arith.constant 0 : i32
      %dma_start3A_23 = tpu.memref_slice %arg8[%arg0, %mul3A_2, %dma_start3A_22] : memref<2x10112x128xf32, #tpu.memory_space<hbm>> -> memref<1x632x128xf32, #tpu.memory_space<hbm>>
      %dma_start3A_24 = tpu.memref_squeeze %dma_start3A_23 : memref<1x632x128xf32, #tpu.memory_space<hbm>> -> memref<632x128xf32, #tpu.memory_space<hbm>>
      %dma_start3A_25 = arith.constant 0 : i32
      %dma_start3A_26 = tpu.memref_slice %arg15[%mul3A_2, %dma_start3A_25] : memref<10112x128xf32, #tpu.memory_space<vmem_shared>> -> memref<632x128xf32, #tpu.memory_space<vmem_shared>>
      tpu.enqueue_dma source(%dma_start3A_26 : memref<632x128xf32, #tpu.memory_space<vmem_shared>>) target(%dma_start3A_24 : memref<632x128xf32, #tpu.memory_space<hbm>>) target_semaphore(%run_scoped3A_21 : memref<!tpu.dma_semaphore, #tpu.memory_space<semaphore_mem>>)
      %dma_wait3A_27 = arith.constant 0 : i32
      %dma_wait3A_28 = tpu.memref_slice %arg8[%arg0, %mul3A_2, %dma_wait3A_27] : memref<2x10112x128xf32, #tpu.memory_space<hbm>> -> memref<1x632x128xf32, #tpu.memory_space<hbm>>
      %dma_wait3A_29 = tpu.memref_squeeze %dma_wait3A_28 : memref<1x632x128xf32, #tpu.memory_space<hbm>> -> memref<632x128xf32, #tpu.memory_space<hbm>>
      %dma_wait3A_30 = arith.constant 0 : i32
      %dma_wait3A_31 = tpu.memref_slice %arg15[%mul3A_2, %dma_wait3A_30] : memref<10112x128xf32, #tpu.memory_space<vmem_shared>> -> memref<632x128xf32, #tpu.memory_space<vmem_shared>>
      tpu.wait_dma2 semaphore(%run_scoped3A_21 : memref<!tpu.dma_semaphore, #tpu.memory_space<semaphore_mem>>) src(%dma_wait3A_31 : memref<632x128xf32, #tpu.memory_space<vmem_shared>>) dst(%dma_wait3A_29 : memref<632x128xf32, #tpu.memory_space<hbm>>)
      tpu.yield
    }) : () -> ()
    "tpu.region"() ({
      %run_scoped3A_21 = tpu.sem_alloc : memref<!tpu.dma_semaphore, #tpu.memory_space<semaphore_mem>>
      %dma_start3A_22 = arith.constant 0 : i32
      %dma_start3A_23 = tpu.memref_slice %arg9[%arg0, %mul3A_2, %dma_start3A_22] : memref<2x10112x16xf32, #tpu.memory_space<hbm>> -> memref<1x632x16xf32, #tpu.memory_space<hbm>>
      %dma_start3A_24 = tpu.memref_squeeze %dma_start3A_23 : memref<1x632x16xf32, #tpu.memory_space<hbm>> -> memref<632x16xf32, #tpu.memory_space<hbm>>
      %dma_start3A_25 = arith.constant 0 : i32
      %dma_start3A_26 = tpu.memref_slice %arg16[%mul3A_2, %dma_start3A_25] : memref<10112x16xf32, #tpu.memory_space<vmem_shared>> -> memref<632x16xf32, #tpu.memory_space<vmem_shared>>
      tpu.enqueue_dma source(%dma_start3A_26 : memref<632x16xf32, #tpu.memory_space<vmem_shared>>) target(%dma_start3A_24 : memref<632x16xf32, #tpu.memory_space<hbm>>) target_semaphore(%run_scoped3A_21 : memref<!tpu.dma_semaphore, #tpu.memory_space<semaphore_mem>>)
      %dma_wait3A_27 = arith.constant 0 : i32
      %dma_wait3A_28 = tpu.memref_slice %arg9[%arg0, %mul3A_2, %dma_wait3A_27] : memref<2x10112x16xf32, #tpu.memory_space<hbm>> -> memref<1x632x16xf32, #tpu.memory_space<hbm>>
      %dma_wait3A_29 = tpu.memref_squeeze %dma_wait3A_28 : memref<1x632x16xf32, #tpu.memory_space<hbm>> -> memref<632x16xf32, #tpu.memory_space<hbm>>
      %dma_wait3A_30 = arith.constant 0 : i32
      %dma_wait3A_31 = tpu.memref_slice %arg16[%mul3A_2, %dma_wait3A_30] : memref<10112x16xf32, #tpu.memory_space<vmem_shared>> -> memref<632x16xf32, #tpu.memory_space<vmem_shared>>
      tpu.wait_dma2 semaphore(%run_scoped3A_21 : memref<!tpu.dma_semaphore, #tpu.memory_space<semaphore_mem>>) src(%dma_wait3A_31 : memref<632x16xf32, #tpu.memory_space<vmem_shared>>) dst(%dma_wait3A_29 : memref<632x16xf32, #tpu.memory_space<hbm>>)
      tpu.yield
    }) : () -> ()
    return
  }
}

module attributes {stable_mosaic.version = 14 : i64} {
  func.func @_h_body(%arg0: i32, %arg1: memref<1000x128xf32, #tpu.memory_space<vmem>>, %arg2: memref<128x128xf32, #tpu.memory_space<vmem>>, %arg3: memref<1x1000x16xf32, #tpu.memory_space<vmem>>, %arg4: memref<1x1000x16xf32, #tpu.memory_space<vmem>>, %arg5: memref<1000x128xf32, #tpu.memory_space<vmem>>) attributes {dimension_semantics = [#tpu.dimension_semantics<arbitrary>], iteration_bounds = array<i64: 10>, scalar_prefetch = 0 : i64, scratch_operands = 0 : i64, tpu.core_type = #tpu.core_type<tc>, window_params = [{transform_indices = @transform_0, window_bounds = array<i64: 1000, 128>}, {pipeline_mode = #tpu.pipeline_mode<synchronous>, transform_indices = @transform_1, window_bounds = array<i64: 128, 128>}, {transform_indices = @transform_2, window_bounds = array<i64: 1, 1000, 16>}, {transform_indices = @transform_3, window_bounds = array<i64: 1, 1000, 16>}, {transform_indices = @transform_4, window_bounds = array<i64: 1000, 128>}]} {
    %get3A = arith.constant 0 : index
    %get3A_0 = arith.constant 0 : index
    %get3A_1 = arith.constant 0 : index
    %get3A_2 = vector.load %arg3[%get3A, %get3A_0, %get3A_1] : memref<1x1000x16xf32, #tpu.memory_space<vmem>>, vector<1x1000x1xf32>
    %get3A_3 = vector.shape_cast %get3A_2 : vector<1x1000x1xf32> to vector<1000x1xf32>
    %get3A_4 = arith.constant 0 : index
    %get3A_5 = arith.constant 0 : index
    %get3A_6 = arith.constant 0 : index
    %get3A_7 = vector.load %arg4[%get3A_4, %get3A_5, %get3A_6] : memref<1x1000x16xf32, #tpu.memory_space<vmem>>, vector<1x1000x1xf32>
    %get3A_8 = vector.shape_cast %get3A_7 : vector<1x1000x1xf32> to vector<1000x1xf32>
    %add3A = arith.addf %get3A_3, %get3A_8 : vector<1000x1xf32>
    %max3A = arith.constant 1.000000e+00 : f32
    %max3A_9 = vector.broadcast %max3A : f32 to vector<1000x1xf32>
    %max3A_10 = arith.maximumf %add3A, %max3A_9 : vector<1000x1xf32>
    %rsqrt3A = math.rsqrt %max3A_10 : vector<1000x1xf32>
    %get3A_11 = arith.constant 0 : index
    %get3A_12 = arith.constant 0 : index
    %get3A_13 = vector.load %arg1[%get3A_11, %get3A_12] : memref<1000x128xf32, #tpu.memory_space<vmem>>, vector<1000x128xf32>
    %mul3A = vector.broadcast %rsqrt3A : vector<1000x1xf32> to vector<1000x128xf32>
    %mul3A_14 = arith.mulf %get3A_13, %mul3A : vector<1000x128xf32>
    %get3A_15 = arith.constant 0 : index
    %get3A_16 = arith.constant 0 : index
    %get3A_17 = vector.load %arg2[%get3A_15, %get3A_16] : memref<128x128xf32, #tpu.memory_space<vmem>>, vector<128x128xf32>
    %dot_general3A = arith.constant dense<0.000000e+00> : vector<1000x128xf32>
    %dot_general3A_18 = tpu.matmul %mul3A_14, %get3A_17, %dot_general3A {dimension_numbers = #tpu.dot_dimension_numbers<[1], [0], [0], [1], [0, 0, 1, 1], [], []>, transpose_lhs_hint = false} : vector<1000x128xf32>, vector<128x128xf32>, vector<1000x128xf32> -> vector<1000x128xf32>
    %swap3A = arith.constant 0 : index
    %swap3A_19 = arith.constant 0 : index
    %swap3A_20 = vector.load %arg5[%swap3A, %swap3A_19] : memref<1000x128xf32, #tpu.memory_space<vmem>>, vector<1000x128xf32>
    tpu.vector_store %arg5[%swap3A, %swap3A_19], %dot_general3A_18 {strides = array<i32>} : memref<1000x128xf32, #tpu.memory_space<vmem>>, vector<1000x128xf32>,
    return
  }
  func.func @transform_0(%arg0: i32) -> (i32, i32) {
    %c0_i32 = arith.constant 0 : i32
    %c0_i32_0 = arith.constant 0 : i32
    return %arg0, %c0_i32 : i32, i32
  }
  func.func @transform_1(%arg0: i32) -> (i32, i32) {
    %c0_i32 = arith.constant 0 : i32
    %c0_i32_0 = arith.constant 0 : i32
    %c0_i32_1 = arith.constant 0 : i32
    return %c0_i32, %c0_i32_0 : i32, i32
  }
  func.func @transform_2(%arg0: i32) -> (i32, i32, i32) {
    %c0_i32 = arith.constant 0 : i32
    %c0_i32_0 = arith.constant 0 : i32
    %c0_i32_1 = arith.constant 0 : i32
    return %c0_i32, %arg0, %c0_i32_0 : i32, i32, i32
  }
  func.func @transform_3(%arg0: i32) -> (i32, i32, i32) {
    %c1_i32 = arith.constant 1 : i32
    %c0_i32 = arith.constant 0 : i32
    %c0_i32_0 = arith.constant 0 : i32
    return %c1_i32, %arg0, %c0_i32 : i32, i32, i32
  }
  func.func @transform_4(%arg0: i32) -> (i32, i32) {
    %c0_i32 = arith.constant 0 : i32
    %c0_i32_0 = arith.constant 0 : i32
    return %arg0, %c0_i32 : i32, i32
  }
}

module attributes {stable_mosaic.version = 14 : i64} {
  func.func @_ln_body(%arg0: i32, %arg1: memref<1x1000x128xf32, #tpu.memory_space<vmem>>, %arg2: memref<1x1000x128xf32, #tpu.memory_space<vmem>>, %arg3: memref<1x1000x16xf32, #tpu.memory_space<vmem>>, %arg4: memref<1x1000x16xf32, #tpu.memory_space<vmem>>, %arg5: memref<1x128xf32, #tpu.memory_space<vmem>>, %arg6: memref<1x128xf32, #tpu.memory_space<vmem>>, %arg7: memref<1x128xf32, #tpu.memory_space<vmem>>, %arg8: memref<1000x128xf32, #tpu.memory_space<vmem>>) attributes {dimension_semantics = [#tpu.dimension_semantics<arbitrary>], iteration_bounds = array<i64: 10>, scalar_prefetch = 0 : i64, scratch_operands = 0 : i64, tpu.core_type = #tpu.core_type<tc>, window_params = [{transform_indices = @transform_0, window_bounds = array<i64: 1, 1000, 128>}, {transform_indices = @transform_1, window_bounds = array<i64: 1, 1000, 128>}, {transform_indices = @transform_2, window_bounds = array<i64: 1, 1000, 16>}, {transform_indices = @transform_3, window_bounds = array<i64: 1, 1000, 16>}, {pipeline_mode = #tpu.pipeline_mode<synchronous>, transform_indices = @transform_4, window_bounds = array<i64: 1, 128>}, {pipeline_mode = #tpu.pipeline_mode<synchronous>, transform_indices = @transform_5, window_bounds = array<i64: 1, 128>}, {pipeline_mode = #tpu.pipeline_mode<synchronous>, transform_indices = @transform_6, window_bounds = array<i64: 1, 128>}, {transform_indices = @transform_7, window_bounds = array<i64: 1000, 128>}]} {
    %get3A = arith.constant 0 : index
    %get3A_0 = arith.constant 0 : index
    %get3A_1 = arith.constant 0 : index
    %get3A_2 = vector.load %arg3[%get3A, %get3A_0, %get3A_1] : memref<1x1000x16xf32, #tpu.memory_space<vmem>>, vector<1x1000x1xf32>
    %get3A_3 = vector.shape_cast %get3A_2 : vector<1x1000x1xf32> to vector<1000x1xf32>
    %get3A_4 = arith.constant 0 : index
    %get3A_5 = arith.constant 0 : index
    %get3A_6 = arith.constant 0 : index
    %get3A_7 = vector.load %arg4[%get3A_4, %get3A_5, %get3A_6] : memref<1x1000x16xf32, #tpu.memory_space<vmem>>, vector<1x1000x1xf32>
    %get3A_8 = vector.shape_cast %get3A_7 : vector<1x1000x1xf32> to vector<1000x1xf32>
    %add3A = arith.addf %get3A_3, %get3A_8 : vector<1000x1xf32>
    %max3A = arith.constant 1.000000e+00 : f32
    %max3A_9 = vector.broadcast %max3A : f32 to vector<1000x1xf32>
    %max3A_10 = arith.maximumf %add3A, %max3A_9 : vector<1000x1xf32>
    %rsqrt3A = math.rsqrt %max3A_10 : vector<1000x1xf32>
    %get3A_11 = arith.constant 0 : index
    %get3A_12 = arith.constant 0 : index
    %get3A_13 = arith.constant 0 : index
    %get3A_14 = vector.load %arg1[%get3A_11, %get3A_12, %get3A_13] : memref<1x1000x128xf32, #tpu.memory_space<vmem>>, vector<1x1000x128xf32>
    %get3A_15 = vector.shape_cast %get3A_14 : vector<1x1000x128xf32> to vector<1000x128xf32>
    %get3A_16 = arith.constant 0 : index
    %get3A_17 = arith.constant 0 : index
    %get3A_18 = arith.constant 0 : index
    %get3A_19 = vector.load %arg2[%get3A_16, %get3A_17, %get3A_18] : memref<1x1000x128xf32, #tpu.memory_space<vmem>>, vector<1x1000x128xf32>
    %get3A_20 = vector.shape_cast %get3A_19 : vector<1x1000x128xf32> to vector<1000x128xf32>
    %add3A_21 = arith.addf %get3A_15, %get3A_20 : vector<1000x128xf32>
    %mul3A = vector.broadcast %rsqrt3A : vector<1000x1xf32> to vector<1000x128xf32>
    %mul3A_22 = arith.mulf %add3A_21, %mul3A : vector<1000x128xf32>
    %get3A_23 = arith.constant 0 : index
    %get3A_24 = arith.constant 0 : index
    %get3A_25 = vector.load %arg5[%get3A_23, %get3A_24] : memref<1x128xf32, #tpu.memory_space<vmem>>, vector<1x128xf32>
    %add3A_26 = vector.broadcast %get3A_25 : vector<1x128xf32> to vector<1000x128xf32>
    %add3A_27 = arith.addf %mul3A_22, %add3A_26 : vector<1000x128xf32>
    %reduce_sum3A = arith.constant dense<0.000000e+00> : vector<1000xf32>
    %reduce_sum3A_28 = vector.multi_reduction <add>, %add3A_27, %reduce_sum3A [1] : vector<1000x128xf32> to vector<1000xf32>
    %broadcast_in_dim3A = vector.shape_cast %reduce_sum3A_28 : vector<1000xf32> to vector<1000x1xf32>
    %div3A = arith.constant 1.280000e+02 : f32
    %div3A_29 = vector.broadcast %div3A : f32 to vector<1000x1xf32>
    %div3A_30 = arith.divf %broadcast_in_dim3A, %div3A_29 : vector<1000x1xf32>
    %sub3A = vector.broadcast %div3A_30 : vector<1000x1xf32> to vector<1000x128xf32>
    %sub3A_31 = arith.subf %add3A_27, %sub3A : vector<1000x128xf32>
    %mul3A_32 = arith.mulf %sub3A_31, %sub3A_31 : vector<1000x128xf32>
    %reduce_sum3A_33 = arith.constant dense<0.000000e+00> : vector<1000xf32>
    %reduce_sum3A_34 = vector.multi_reduction <add>, %mul3A_32, %reduce_sum3A_33 [1] : vector<1000x128xf32> to vector<1000xf32>
    %broadcast_in_dim3A_35 = vector.shape_cast %reduce_sum3A_34 : vector<1000xf32> to vector<1000x1xf32>
    %div3A_36 = arith.constant 1.280000e+02 : f32
    %div3A_37 = vector.broadcast %div3A_36 : f32 to vector<1000x1xf32>
    %div3A_38 = arith.divf %broadcast_in_dim3A_35, %div3A_37 : vector<1000x1xf32>
    %add3A_39 = arith.constant 9.99999974E-6 : f32
    %add3A_40 = vector.broadcast %add3A_39 : f32 to vector<1000x1xf32>
    %add3A_41 = arith.addf %div3A_38, %add3A_40 : vector<1000x1xf32>
    %rsqrt3A_42 = math.rsqrt %add3A_41 : vector<1000x1xf32>
    %mul3A_43 = vector.broadcast %rsqrt3A_42 : vector<1000x1xf32> to vector<1000x128xf32>
    %mul3A_44 = arith.mulf %sub3A_31, %mul3A_43 : vector<1000x128xf32>
    %get3A_45 = arith.constant 0 : index
    %get3A_46 = arith.constant 0 : index
    %get3A_47 = vector.load %arg6[%get3A_45, %get3A_46] : memref<1x128xf32, #tpu.memory_space<vmem>>, vector<1x128xf32>
    %mul3A_48 = vector.broadcast %get3A_47 : vector<1x128xf32> to vector<1000x128xf32>
    %mul3A_49 = arith.mulf %mul3A_44, %mul3A_48 : vector<1000x128xf32>
    %get3A_50 = arith.constant 0 : index
    %get3A_51 = arith.constant 0 : index
    %get3A_52 = vector.load %arg7[%get3A_50, %get3A_51] : memref<1x128xf32, #tpu.memory_space<vmem>>, vector<1x128xf32>
    %add3A_53 = vector.broadcast %get3A_52 : vector<1x128xf32> to vector<1000x128xf32>
    %add3A_54 = arith.addf %mul3A_49, %add3A_53 : vector<1000x128xf32>
    %max3A_55 = arith.constant 0.000000e+00 : f32
    %max3A_56 = vector.broadcast %max3A_55 : f32 to vector<1000x128xf32>
    %max3A_57 = arith.maximumf %add3A_54, %max3A_56 : vector<1000x128xf32>
    %swap3A = arith.constant 0 : index
    %swap3A_58 = arith.constant 0 : index
    %swap3A_59 = vector.load %arg8[%swap3A, %swap3A_58] : memref<1000x128xf32, #tpu.memory_space<vmem>>, vector<1000x128xf32>
    tpu.vector_store %arg8[%swap3A, %swap3A_58], %max3A_57 {strides = array<i32>} : memref<1000x128xf32, #tpu.memory_space<vmem>>, vector<1000x128xf32>,
    return
  }
  func.func @transform_0(%arg0: i32) -> (i32, i32, i32) {
    %c0_i32 = arith.constant 0 : i32
    %c0_i32_0 = arith.constant 0 : i32
    %c0_i32_1 = arith.constant 0 : i32
    return %c0_i32, %arg0, %c0_i32_0 : i32, i32, i32
  }
  func.func @transform_1(%arg0: i32) -> (i32, i32, i32) {
    %c1_i32 = arith.constant 1 : i32
    %c0_i32 = arith.constant 0 : i32
    %c0_i32_0 = arith.constant 0 : i32
    return %c1_i32, %arg0, %c0_i32 : i32, i32, i32
  }
  func.func @transform_2(%arg0: i32) -> (i32, i32, i32) {
    %c0_i32 = arith.constant 0 : i32
    %c0_i32_0 = arith.constant 0 : i32
    %c0_i32_1 = arith.constant 0 : i32
    return %c0_i32, %arg0, %c0_i32_0 : i32, i32, i32
  }
  func.func @transform_3(%arg0: i32) -> (i32, i32, i32) {
    %c1_i32 = arith.constant 1 : i32
    %c0_i32 = arith.constant 0 : i32
    %c0_i32_0 = arith.constant 0 : i32
    return %c1_i32, %arg0, %c0_i32 : i32, i32, i32
  }
  func.func @transform_4(%arg0: i32) -> (i32, i32) {
    %c0_i32 = arith.constant 0 : i32
    %c0_i32_0 = arith.constant 0 : i32
    %c0_i32_1 = arith.constant 0 : i32
    return %c0_i32, %c0_i32_0 : i32, i32
  }
  func.func @transform_5(%arg0: i32) -> (i32, i32) {
    %c0_i32 = arith.constant 0 : i32
    %c0_i32_0 = arith.constant 0 : i32
    %c0_i32_1 = arith.constant 0 : i32
    return %c0_i32, %c0_i32_0 : i32, i32
  }
  func.func @transform_6(%arg0: i32) -> (i32, i32) {
    %c0_i32 = arith.constant 0 : i32
    %c0_i32_0 = arith.constant 0 : i32
    %c0_i32_1 = arith.constant 0 : i32
    return %c0_i32, %c0_i32_0 : i32, i32
  }
  func.func @transform_7(%arg0: i32) -> (i32, i32) {
    %c0_i32 = arith.constant 0 : i32
    %c0_i32_0 = arith.constant 0 : i32
    return %arg0, %c0_i32 : i32, i32
  }
}

</mosaic_0001>

<sc_bundles>
// kernel: kernel.6.cloned.1.call-start
scs
__scs_entry_jumppad:
0x0: {  	(pc) =	sbr.rel $0x88, $3  }
0x1: {  	(tag) =	ssettag $0x0;
	lr =	simm.s32 $0x1  }
0x2: {  	[smem:$0x3F9B] =	sst lr;
	_ =	strace $0xD0000000  }
0x3: {  	_ = 	snop  }
0x4: {  	_ = 	snop  }
0x5: {  	_ = 	snop  }
0x6: {  	_ = 	snop  }
0x7: {  	_ = 	snop  }
__scs_overlays_trampoline_lowered:
0x8: {  	[smem:$0x3FAA] =	sst s0  }
0x9: {  	[smem:$0x3FAB] =	sst s1  }
0xa: {  	[smem:$0x3FAC] =	sst s2  }
0xb: {  	[smem:$0x3FAD] =	sst s3  }
0xc: {  	[smem:$0x3FAE] =	sst s4  }
0xd: {  	[smem:$0x3FAF] =	sst s5  }
0xe: {  	[smem:$0x3FB0] =	sst s6  }
0xf: {  	[smem:$0x3FB1] =	sst s7  }
0x10: {  	[smem:$0x3FB2] =	sst s8  }
0x11: {  	[smem:$0x3FB3] =	sst s9;
	s0 =	simm.s32 @!p0 $0x0  }
0x12: {  	s1 =	sld [smem:$0x3F99];
	s0 =	simm.s32 @p0 $0x1  }
0x13: {  	[smem:$0x3FB4] =	sst s0;
	s0 =	simm.s32 @!p1 $0x0  }
0x14: {  	s2 =	sld [smem:$0x3F98];
	s0 =	simm.s32 @p1 $0x1  }
0x15: {  	[smem:$0x3FB5] =	sst s0;
	s0 =	simm.s32 @!p2 $0x0  }
0x16: {  	s3 =	sld [smem:$0x3FDB];
	s0 =	simm.s32 @p2 $0x1  }
0x17: {  	s4 =	simm.s32 $0x1BF5;
	[smem:$0x3FB7] =	sst s0  }
0x18: {  	s0 =	sld [smem:$0x3F9A];
	_ =	swait.ge [sflag:s4], $0x0  }
0x19: {  	s7 =	sld [smem:$0x3F9B]  }
0x1a: {  	s8 =	sadd.s32 $0xFFFFE003, lr  }
0x1b: {  	s9 =	sadd.s32 $0xFFFFFEF7, lr;
	s5 =	simm.s32 $0xFFFFFFFF;
	p2 =	slt.u32 s8, $0xFFFFF086  }
0x1c: {  	p1 =	slt.u32 s9, $0xF7A;
	s5 =	simm.s32 @!p2 $0x0  }
0x1d: {  	s5 =	simm.s32 @p1 $0x1;
	p0 =	seq.s32 s7, s2  }
0x1e: {  	s7 =	smul.u32 @!p0 $0xF7A, s2;
	p2 =	seq.s32 @!p0 s5, $0x0  }
0x1f: {  	s9 =	smul.u32 $0xF7A, s1;
	s8 =	simm.s32 @!p0 $0x1BF5;
	p2 =	por !p2, p0  }
0x20: {  	[sflag:s8] =	ssyncset.s32 @!p0 $0xFFFFF086;
	s6 =	sadd.s32 @!p0 s3, s7;
	s7 =	simm.s32 @!p0 $0x108  }
0x21: {  	s3 =	sadd.s32 s3, s9;
	s6 =	sadd.s32 @!p0 $0x88, s6;
	s7 =	simm.s32 @p2 $0x1082  }
0x22: {  	[simem:s7], [sflag:s8] =	dma.local @!p0 [hbm:s6], $0xF7A  }
0x23: {  	s9 =	sor.u32 $0xD0000000, s2;
	s6 =	simm.s32 $0x108;
	_ =	swait.ge @!p0 [sflag:s8], $0x0  }
0x24: {  	s3 =	sadd.s32 $0x88, s3;
	s6 =	simm.s32 @!p1 $0x1082;
	[sflag:s4] =	ssyncset.s32 $0xFFFFF086  }
0x25: {  	[simem:s6], [sflag:s4] =	dma.local [hbm:s3], $0xF7A  }
0x26: {  	[smem:$0x3F9B] =	sst s1;
	(tag) =	ssettag s2;
	_ =	strace s9  }
0x27: {  	s1 =	sld [smem:$0x3FAB]  }
0x28: {  	s2 =	sld [smem:$0x3FAC]  }
0x29: {  	s4 =	sld [smem:$0x3FAE]  }
0x2a: {  	p0 =	seq.s32 s5, $0x0;
	s5 =	sld [smem:$0x3FAF]  }
0x2b: {  	s6 =	sld [smem:$0x3FB0]  }
0x2c: {  	s7 =	sld [smem:$0x3FB1]  }
0x2d: {  	s3 =	simm.s32 $0x108;
	s8 =	sld [smem:$0x3FB2]  }
0x2e: {  	s3 =	simm.s32 @!p0 $0x1082;
	s9 =	sld [smem:$0x3FB3]  }
0x2f: {  	lr =	sadd.s32 s0, s3;
	s0 =	sld [smem:$0x3FAA]  }
0x30: {  	s3 =	sld [smem:$0x3FAD]  }
0x31: {  	[smem:$0x3FB6] =	sst s10  }
0x32: {  	s10 =	sld [smem:$0x3FB4];
	_ =	sdelay $0x3  }
0x33: {  	p0 =	seq.s32 s10, $0x1;
	s10 =	sld [smem:$0x3FB6];
	_ =	sdelay $0x3  }
0x34: {  	[smem:$0x3FB6] =	sst s10  }
0x35: {  	s10 =	sld [smem:$0x3FB5];
	_ =	sdelay $0x3  }
0x36: {  	p1 =	seq.s32 s10, $0x1;
	s10 =	sld [smem:$0x3FB6];
	_ =	sdelay $0x3  }
0x37: {  	[smem:$0x3FB6] =	sst s10  }
0x38: {  	s10 =	sld [smem:$0x3FB7]  }
0x39: {  	_ = 	snop;
	(pc) =	sbr.ind lr, $3  }
0x3a: {  	_ = 	snop  }
0x3b: {  	_ = 	snop  }
0x3c: {  	p2 =	seq.s32 s10, $0x1;
	s10 =	sld [smem:$0x3FB6]  }
0x3d: {  	_ =	shalt  }
0x3e: {  	_ =	shalt  }
0x3f: {  	_ =	shalt  }
0x40: {  	_ =	shalt  }
0x41: {  	_ =	shalt  }
0x42: {  	_ =	shalt  }
0x43: {  	_ =	shalt  }
0x44: {  	_ =	shalt  }
0x45: {  	_ =	shalt  }
0x46: {  	_ =	shalt  }
0x47: {  	_ =	shalt  }
0x48: {  	_ =	shalt  }
0x49: {  	_ =	shalt  }
0x4a: {  	_ =	shalt  }
0x4b: {  	_ =	shalt  }
0x4c: {  	_ =	shalt  }
0x4d: {  	_ =	shalt  }
0x4e: {  	_ =	shalt  }
0x4f: {  	_ =	shalt  }
0x50: {  	_ =	shalt  }
0x51: {  	_ =	shalt  }
0x52: {  	_ =	shalt  }
0x53: {  	_ =	shalt  }
0x54: {  	_ =	shalt  }
0x55: {  	_ =	shalt  }
0x56: {  	_ =	shalt  }
0x57: {  	_ =	shalt  }
0x58: {  	_ =	shalt  }
0x59: {  	_ =	shalt  }
0x5a: {  	_ =	shalt  }
0x5b: {  	_ =	shalt  }
0x5c: {  	_ =	shalt  }
0x5d: {  	_ =	shalt  }
0x5e: {  	_ =	shalt  }
0x5f: {  	_ =	shalt  }
0x60: {  	_ =	shalt  }
0x61: {  	_ =	shalt  }
0x62: {  	_ =	shalt  }
0x63: {  	_ =	shalt  }
0x64: {  	_ =	shalt  }
0x65: {  	_ =	shalt  }
0x66: {  	_ =	shalt  }
0x67: {  	_ =	shalt  }
0x68: {  	_ =	shalt  }
0x69: {  	_ =	shalt  }
0x6a: {  	_ =	shalt  }
0x6b: {  	_ =	shalt  }
0x6c: {  	_ =	shalt  }
0x6d: {  	_ =	shalt  }
0x6e: {  	_ =	shalt  }
0x6f: {  	_ =	shalt  }
0x70: {  	_ =	shalt  }
0x71: {  	_ =	shalt  }
0x72: {  	_ =	shalt  }
0x73: {  	_ =	shalt  }
0x74: {  	_ =	shalt  }
0x75: {  	_ =	shalt  }
0x76: {  	_ =	shalt  }
0x77: {  	_ =	shalt  }
0x78: {  	_ =	shalt  }
0x79: {  	_ =	shalt  }
0x7a: {  	_ =	shalt  }
0x7b: {  	_ =	shalt  }
0x7c: {  	_ =	shalt  }
0x7d: {  	_ =	shalt  }
0x7e: {  	_ =	shalt  }
0x7f: {  	_ =	shalt  }
0x80: {  	_ =	shalt  }
0x81: {  	_ =	shalt  }
0x82: {  	_ =	shalt  }
0x83: {  	_ =	shalt  }
0x84: {  	_ =	shalt  }
0x85: {  	_ =	shalt  }
0x86: {  	_ =	shalt  }
0x87: {  	_ =	shalt  }
.Lfunc_end0:
.L_simem_size_0:
called_computation_lowered:
.L_overlay_start_0:
0x88: {  	s2 =	sld [smem:$0x3FD9]  }
0x89: {  	s3 =	sld [smem:$0x3FFE];
	_ =	sdelay $0x1  }
0x8a: {  	s1 =	srdreg.scid  }
0x8b: {  	s0 =	sand.u32 $0x1, s1  }
0x8c: {  	s17 =	sshll.u32 s0, $0xA;
	s2 =	sadd.s32 s3, s2  }
0x8d: {  	s2 =	sadd.s32 s2, s17  }
0x8e: {  	[smem:$0x3FC2] =	sst s2  }
0x8f: {  	_ = 	snop  }
0x90: {  	s2 =	sld [smem:$0x3FD0];
	(tm) =	ssettm $0x1  }
0x91: {  	s18 =	sld [smem:$0x3FFB];
	_ =	sdelay $0x3  }
0x92: {  	_ =	strace s18  }
0x93: {  	s3 =	sld [smem:$0x3FFC];
	_ =	sdelay $0x3  }
0x94: {  	_ =	strace s3  }
0x95: {  	s3 =	sld [smem:$0x3FFD];
	_ =	sdelay $0x3  }
0x96: {  	_ =	strace s3  }
0x97: {  	_ =	strace $0x8FFFFFFF  }
0x98: {  	s19 =	sld [smem:$0x3FDB];
	_ =	sdelay $0x1  }
0x99: {  	s4 =	simm.s32 $_scs_section_size  }
0x9a: {  	s5 =	simm.s32 $_size__tile_overlayer_lowered;
	s6 =	simm.s32 $_tile_overlayer_lowered  }
0x9b: {  	s22 =	simm.s32 $0x1BFF;
	s21 =	sshll.u32 s6, $0x1;
	s3 =	sadd.s32 s4, s19  }
0x9c: {  	s7 =	simm.s32 $0x0;
	s20 =	sshll.u32 s5, $0x1;
	s5 =	sadd.s32 s21, s3  }
0x9d: {  	[timem:s7], [sflag:s22] =	dma.local [hbm:s5], s20  }
0x9e: {  	_ =	swait.ge [sflag:s22], s20  }
0x9f: {  	s4 =	ssub.s32 $0x0, s20;
	[sflag:s22] =	ssyncset.done $0x0  }
0xa0: {  	[sflag:s22] =	ssyncadd.s32 s4;
	_ =	sdelay $0x1  }
0xa1: {  	s23 =	simm.s32 $0x1B8B  }
0xa2: {  	_ =	swait.ge [sflag:s23], $0x1  }
0xa3: {  	[sflag:s23] =	ssyncset.done $0x0  }
0xa4: {  	s25 =	simm.s32 $0x1B8E;
	s24 =	sld [smem:$0x3FFE];
	[sflag:s23] =	ssyncadd.s32 $0xFFFFFFFF  }
0xa5: {  	s26 =	simm.s32 $execute0_lowered;
	[smem:$0x3FD2] =	sst s25  }
0xa6: {  	s5 =	sshll.u32 s26, $0x1;
	_ =	strace $0x80000046;
	[dreg:$0x1] =	wrdreg $0xFFFFFFFF  }
0xa7: {  	s28 =	simm.s32 $_size_execute0_lowered;
	s3 =	sadd.s32 s3, s5;
	[dreg:$0x0] =	wrdreg $0x0  }
0xa8: {  	s5 =	sshll.u32 s28, $0x1;
	[dreg:$0x2] =	wrdreg s3  }
0xa9: {  	[dreg:$0x3] =	wrdreg s5  }
0xaa: {  	[dreg:$0x4] =	wrdreg $0xC0  }
0xab: {  	_ =	task [dreg:s7], $0x5FFFF  }
0xac: {  	[dreg:$0x1] =	wrdreg $0xFFFFFFFF  }
0xad: {  	[dreg:$0x0] =	wrdreg $0x60  }
0xae: {  	[dreg:$0x2] =	wrdreg s2  }
0xaf: {  	[dreg:$0x3] =	wrdreg s24  }
0xb0: {  	[dreg:$0x4] =	wrdreg $0x2F800  }
0xb1: {  	[dreg:$0x5] =	wrdreg $0x9  }
0xb2: {  	_ =	task.clear_ibuf [dreg:s7], $0x6FFFF;
	_ =	strace $0x90000046  }
0xb3: {  	s29 =	simm.s32 $0x9;
	_ =	strace $0x80000048  }
0xb4: {  	_ =	swait.ge [sflag:s29], $0x1  }
0xb5: {  	[sflag:s29] =	ssyncadd.s32 $0xFFFFFFFF  }
0xb6: {  	_ =	strace $0x90000048  }
0xb7: {  	_ =	sfence  }
0xb8: {  	s30 =	sld [smem:$0x0];
	_ =	sdelay $0x2  }
0xb9: {  	s31 =	sshll.u32 s1, $0xD;
	s1 =	sshrl.u32 s1, $0x2  }
0xba: {  	s3 =	sand.u32 $0x4000, s31;
	s1 =	sadd.s32 s1, s30  }
0xbb: {  	s0 =	sor.u32 s3, s0;
	s1 =	sshll.u32 s1, $0x11  }
0xbc: {  	s0 =	sor.u32 s1, s0  }
0xbd: {  	s0 =	sadd.s32 $0x8F2B, s0  }
0xbe: {  	[sflag:s0] =	ssyncadd.remote.s32 $0x1  }
0xbf: {  	_ =	sfence.sel $0xFFFF  }
0xc0: {  	[dreg:$0x0] =	wrdreg $0xFFFFFFFF;
	(pc) =	sbr.abs _section_cstart, $3  }
0xc1: {  	[dreg:$0x1] =	wrdreg $0xFFFFFFFF  }
0xc2: {  	_ =	task.clear_ibuf [dreg:s7], $0x2FFFF;
	_ =	strace $0x9FFFFFFF  }
0xc3: {  	(tm) =	ssettm $0x7FFFFFFF  }
tec
execute0_lowered:
.L_overlay_start_1:
0x0: {  	(tag) =	ssettag $0x1  }
0x1: {  	s7 =	rddreg [dreg:$0x0]  }
0x2: {  	s5 =	rddreg [dreg:$0x1]  }
0x3: {  	s2 =	rddreg [dreg:$0x2];
	s0 =	stileid.u32  }
0x4: {  	s4 =	srdreg.scid;
	s1 =	rddreg [dreg:$0x3]  }
0x5: {  	s3 =	simm.s32 $0x0;
	s13 =	simm.s32 $0x80;
	s14 =	simm.s32 $0x0  }
0x6: {  	s6 =	smul.u32 $0x2780, s0;
	s8 =	sand.u32 $0x1, s4;
	[smem:$0x7FF] =	sst s3  }
0x7: {  	s4 =	sadd.s32 $0x1800, s5;
	s31 =	sshll.u32 s0, $0x6;
	s10 =	smul.u32 $0x27800, s8  }
0x8: {  	_ =	strace $0x80000047;
	s11 =	ssub.s32 $0x2, s8;
	s8 =	sshll.u32 s8, $0x4  }
0x9: {  	s9 =	sshrl.u32 s6, $0x3;
	s12 =	sshrl.u32 s11, $0x1;
	s8 =	sor.u32 s0, s8  }
0xa: {  	s30 =	sadd.s32 s6, s2;
	s9 =	sadd.s32 s9, s5;
	s10 =	sadd.s32 s6, s10  }
0xb: {  	s11 =	ssub.s32 s11, s12;
	s8 =	smul.u32 $0x4F0, s8;
	s10 =	sshrl.u32 s10, $0x3  }
0xc: {  	s6 =	sor.u32 $0x1C01, s31;
	s12 =	simm.s32 $0x2780;
	s10 =	sadd.s32 s10, s5  }
0xd: {  	s5 =	sadd.s32 $0x1A00, s9;
	s7 =	sadd.s32 s7, s8;
	s9 =	smax.u32 s11, $0x1  }
0xe: {  	s11 =	simm.s32 $0x1;
	s8 =	sadd.s32 $0x6A00, s10;
	s10 =	sshrl.u32 s30, $0x3  }
.LBB2_1:
0xf: {  	[spmem:s10], [sflag:s6] =	dma.local [hbm:s5], $0x4F0  }
0x10: {  	_ =	swait.ge [sflag:s11], $0x4F0  }
0x11: {  	[sflag:s11] =	ssyncset.done $0x0  }
0x12: {  	[sflag:s11] =	ssyncadd.s32 $0xFFFFFB10  }
0x13: {  	[tilespmem:s3], [sflag:$0x1] =	stream.linear.gather [hbm4b:s7+s3], $0x2780, $0x38;
	[tilespmem:$0x5700] =	vst v63  }
0x14: {  	_ =	swait.ge [sflag:s11], $0x2780  }
0x15: {  	[sflag:s11] =	ssyncset.done $0x0  }
0x16: {  	[sflag:s11] =	ssyncadd.s32 $0xFFFFD880  }
0x17: {  	[tilespmem:s12], [sflag:$0x1] =	stream.linear.gather [hbm4b:s4+s3], $0x800, $0x38;
	[tilespmem:$0x5700] =	vst v63  }
0x18: {  	_ =	swait.ge [sflag:s11], $0x800  }
0x19: {  	[sflag:s11] =	ssyncset.done $0x0  }
0x1a: {  	[sflag:s11] =	ssyncadd.s32 $0xFFFFF800  }
0x1b: {  	s15 =	simm.s32 $0x0;
	[bflag:$0x0] =	sbarrier.arrive $0xFFFF  }
0x1c: {  	[spmem:s2] =	stream.indirect.scatter.add.f32 [tilespmem:s12], [sflag:$0x1], $0x10, s15, s13, $0xb8;
	[tilespmem:$0x5700] =	vst v63  }
0x1d: {  	_ =	swait.ge [sflag:s11], $0x800  }
0x1e: {  	s15 =	simm.s32 $0x200;
	[sflag:s11] =	ssyncset.done $0x0  }
.LBB2_2:
0x1f: {  	s16 =	sshra.s32 s15, $0x2;
	[sflag:s11] =	ssyncadd.s32 $0xFFFFF800;
	p0 =	sne.s32 s15, $0x9C00  }
0x20: {  	[spmem:s2] =	stream.indirect.scatter.add.f32 [tilespmem:s12], [sflag:$0x1], $0x10, s16, s13, $0xb8;
	[tilespmem:$0x5700] =	vst v63  }
.Ltmp0:
0x21: {  	_ = 	snop;
	(pc) =	sbr.rel @p0 .LBB2_2-.Ltmp0, $4  }
0x22: {  	_ = 	snop  }
0x23: {  	s15 =	sadd.s32 $0x200, s15  }
0x24: {  	_ =	swait.ge [sflag:s11], $0x800  }
0x25: {  	[sflag:s11] =	ssyncset.done $0x0  }
0x26: {  	s14 =	sadd.s32 $0x1, s14  }
0x27: {  	[sflag:s11] =	ssyncadd.s32 $0xFFFFF800;
	p0 =	sne.s32 s14, s9  }
.Ltmp1:
0x28: {  	[bflag:$0x0] =	sbarrier.arrive $0xFFFF;
	(pc) =	sbr.rel @p0 .LBB2_1-.Ltmp1, $4  }
0x29: {  	[hbm:s8], [sflag:s6] =	dma.local [spmem:s10], $0x4F0  }
0x2a: {  	_ =	swait.ge [sflag:s11], $0x4F0  }
0x2b: {  	[sflag:s11] =	ssyncset.done $0x0  }
0x2c: {  	[sflag:s11] =	ssyncadd.s32 $0xFFFFFB10  }
0x2d: {  	_ =	sfence.sel $0x180000  }
0x2e: {  	[bflag:$0x0] =	sbarrier.arrive $0xFFFF  }
0x2f: {  	p0 =	sne.s32 s0, $0x0;
	_ =	strace $0x90000047  }
0x30: {  	s0 =	sadd.s32 @!p0 $0x100000, s1;
	[bflag:$0x2] =	sbarrier.arrive $0xFFFF  }
0x31: {  	[sflag:s0] =	ssyncadd.tile.s32 @!p0 $0x1;
	_ =	shalt  }
.Lfunc_end2:
_tile_overlayer_lowered:
.L_overlay_start_2:
0x32: {  	(tag) =	ssettag $0x2  }
0x33: {  	s0 =	rddreg [dreg:$0x0];
	s2 =	stileid.u32  }
0x34: {  	s1 =	rddreg [dreg:$0x1];
	p0 =	sne.s32 s2, $0x0  }
0x35: {  	s3 =	rddreg [dreg:$0x2];
	[bflag:$0x3] =	sbarrier.arrive $0xFFFF;
	s2 =	simm.s32 @!p0 $0x1C01  }
0x36: {  	[timem:s3], [sflag:s2] =	dma.local @!p0 [hbm:s0], s1  }
0x37: {  	s0 =	simm.s32 @!p0 $0x1  }
0x38: {  	_ =	swait.ge @!p0 [sflag:s0], s1  }
0x39: {  	s1 =	ssub.s32 @!p0 $0x0, s1;
	[sflag:s0] =	ssyncset.done @!p0 $0x0  }
0x3a: {  	[sflag:s0] =	ssyncadd.s32 @!p0 s1  }
0x3b: {  	[bflag:$0x3] =	sbarrier.arrive $0xFFFF  }
0x3c: {  	_ =	shalt  }

// kernel: kernel.9.cloned.1.call-start
scs
__scs_entry_jumppad:
0x0: {  	(pc) =	sbr.rel $0x88, $3  }
0x1: {  	(tag) =	ssettag $0x0;
	lr =	simm.s32 $0x1  }
0x2: {  	[smem:$0x3F9B] =	sst lr;
	_ =	strace $0xD0000000  }
0x3: {  	_ = 	snop  }
0x4: {  	_ = 	snop  }
0x5: {  	_ = 	snop  }
0x6: {  	_ = 	snop  }
0x7: {  	_ = 	snop  }
__scs_overlays_trampoline_lowered:
0x8: {  	[smem:$0x3FAA] =	sst s0  }
0x9: {  	[smem:$0x3FAB] =	sst s1  }
0xa: {  	[smem:$0x3FAC] =	sst s2  }
0xb: {  	[smem:$0x3FAD] =	sst s3  }
0xc: {  	[smem:$0x3FAE] =	sst s4  }
0xd: {  	[smem:$0x3FAF] =	sst s5  }
0xe: {  	[smem:$0x3FB0] =	sst s6  }
0xf: {  	[smem:$0x3FB1] =	sst s7  }
0x10: {  	[smem:$0x3FB2] =	sst s8  }
0x11: {  	[smem:$0x3FB3] =	sst s9;
	s0 =	simm.s32 @!p0 $0x0  }
0x12: {  	s1 =	sld [smem:$0x3F99];
	s0 =	simm.s32 @p0 $0x1  }
0x13: {  	[smem:$0x3FB4] =	sst s0;
	s0 =	simm.s32 @!p1 $0x0  }
0x14: {  	s2 =	sld [smem:$0x3F98];
	s0 =	simm.s32 @p1 $0x1  }
0x15: {  	[smem:$0x3FB5] =	sst s0;
	s0 =	simm.s32 @!p2 $0x0  }
0x16: {  	s3 =	sld [smem:$0x3FDB];
	s0 =	simm.s32 @p2 $0x1  }
0x17: {  	s4 =	simm.s32 $0x1BF5;
	[smem:$0x3FB7] =	sst s0  }
0x18: {  	s0 =	sld [smem:$0x3F9A];
	_ =	swait.ge [sflag:s4], $0x0  }
0x19: {  	s7 =	sld [smem:$0x3F9B]  }
0x1a: {  	s8 =	sadd.s32 $0xFFFFE003, lr  }
0x1b: {  	s9 =	sadd.s32 $0xFFFFFEF7, lr;
	s5 =	simm.s32 $0xFFFFFFFF;
	p2 =	slt.u32 s8, $0xFFFFF086  }
0x1c: {  	p1 =	slt.u32 s9, $0xF7A;
	s5 =	simm.s32 @!p2 $0x0  }
0x1d: {  	s5 =	simm.s32 @p1 $0x1;
	p0 =	seq.s32 s7, s2  }
0x1e: {  	s7 =	smul.u32 @!p0 $0xF7A, s2;
	p2 =	seq.s32 @!p0 s5, $0x0  }
0x1f: {  	s9 =	smul.u32 $0xF7A, s1;
	s8 =	simm.s32 @!p0 $0x1BF5;
	p2 =	por !p2, p0  }
0x20: {  	[sflag:s8] =	ssyncset.s32 @!p0 $0xFFFFF086;
	s6 =	sadd.s32 @!p0 s3, s7;
	s7 =	simm.s32 @!p0 $0x108  }
0x21: {  	s3 =	sadd.s32 s3, s9;
	s6 =	sadd.s32 @!p0 $0x88, s6;
	s7 =	simm.s32 @p2 $0x1082  }
0x22: {  	[simem:s7], [sflag:s8] =	dma.local @!p0 [hbm:s6], $0xF7A  }
0x23: {  	s9 =	sor.u32 $0xD0000000, s2;
	s6 =	simm.s32 $0x108;
	_ =	swait.ge @!p0 [sflag:s8], $0x0  }
0x24: {  	s3 =	sadd.s32 $0x88, s3;
	s6 =	simm.s32 @!p1 $0x1082;
	[sflag:s4] =	ssyncset.s32 $0xFFFFF086  }
0x25: {  	[simem:s6], [sflag:s4] =	dma.local [hbm:s3], $0xF7A  }
0x26: {  	[smem:$0x3F9B] =	sst s1;
	(tag) =	ssettag s2;
	_ =	strace s9  }
0x27: {  	s1 =	sld [smem:$0x3FAB]  }
0x28: {  	s2 =	sld [smem:$0x3FAC]  }
0x29: {  	s4 =	sld [smem:$0x3FAE]  }
0x2a: {  	p0 =	seq.s32 s5, $0x0;
	s5 =	sld [smem:$0x3FAF]  }
0x2b: {  	s6 =	sld [smem:$0x3FB0]  }
0x2c: {  	s7 =	sld [smem:$0x3FB1]  }
0x2d: {  	s3 =	simm.s32 $0x108;
	s8 =	sld [smem:$0x3FB2]  }
0x2e: {  	s3 =	simm.s32 @!p0 $0x1082;
	s9 =	sld [smem:$0x3FB3]  }
0x2f: {  	lr =	sadd.s32 s0, s3;
	s0 =	sld [smem:$0x3FAA]  }
0x30: {  	s3 =	sld [smem:$0x3FAD]  }
0x31: {  	[smem:$0x3FB6] =	sst s10  }
0x32: {  	s10 =	sld [smem:$0x3FB4];
	_ =	sdelay $0x3  }
0x33: {  	p0 =	seq.s32 s10, $0x1;
	s10 =	sld [smem:$0x3FB6];
	_ =	sdelay $0x3  }
0x34: {  	[smem:$0x3FB6] =	sst s10  }
0x35: {  	s10 =	sld [smem:$0x3FB5];
	_ =	sdelay $0x3  }
0x36: {  	p1 =	seq.s32 s10, $0x1;
	s10 =	sld [smem:$0x3FB6];
	_ =	sdelay $0x3  }
0x37: {  	[smem:$0x3FB6] =	sst s10  }
0x38: {  	s10 =	sld [smem:$0x3FB7]  }
0x39: {  	_ = 	snop;
	(pc) =	sbr.ind lr, $3  }
0x3a: {  	_ = 	snop  }
0x3b: {  	_ = 	snop  }
0x3c: {  	p2 =	seq.s32 s10, $0x1;
	s10 =	sld [smem:$0x3FB6]  }
0x3d: {  	_ =	shalt  }
0x3e: {  	_ =	shalt  }
0x3f: {  	_ =	shalt  }
0x40: {  	_ =	shalt  }
0x41: {  	_ =	shalt  }
0x42: {  	_ =	shalt  }
0x43: {  	_ =	shalt  }
0x44: {  	_ =	shalt  }
0x45: {  	_ =	shalt  }
0x46: {  	_ =	shalt  }
0x47: {  	_ =	shalt  }
0x48: {  	_ =	shalt  }
0x49: {  	_ =	shalt  }
0x4a: {  	_ =	shalt  }
0x4b: {  	_ =	shalt  }
0x4c: {  	_ =	shalt  }
0x4d: {  	_ =	shalt  }
0x4e: {  	_ =	shalt  }
0x4f: {  	_ =	shalt  }
0x50: {  	_ =	shalt  }
0x51: {  	_ =	shalt  }
0x52: {  	_ =	shalt  }
0x53: {  	_ =	shalt  }
0x54: {  	_ =	shalt  }
0x55: {  	_ =	shalt  }
0x56: {  	_ =	shalt  }
0x57: {  	_ =	shalt  }
0x58: {  	_ =	shalt  }
0x59: {  	_ =	shalt  }
0x5a: {  	_ =	shalt  }
0x5b: {  	_ =	shalt  }
0x5c: {  	_ =	shalt  }
0x5d: {  	_ =	shalt  }
0x5e: {  	_ =	shalt  }
0x5f: {  	_ =	shalt  }
0x60: {  	_ =	shalt  }
0x61: {  	_ =	shalt  }
0x62: {  	_ =	shalt  }
0x63: {  	_ =	shalt  }
0x64: {  	_ =	shalt  }
0x65: {  	_ =	shalt  }
0x66: {  	_ =	shalt  }
0x67: {  	_ =	shalt  }
0x68: {  	_ =	shalt  }
0x69: {  	_ =	shalt  }
0x6a: {  	_ =	shalt  }
0x6b: {  	_ =	shalt  }
0x6c: {  	_ =	shalt  }
0x6d: {  	_ =	shalt  }
0x6e: {  	_ =	shalt  }
0x6f: {  	_ =	shalt  }
0x70: {  	_ =	shalt  }
0x71: {  	_ =	shalt  }
0x72: {  	_ =	shalt  }
0x73: {  	_ =	shalt  }
0x74: {  	_ =	shalt  }
0x75: {  	_ =	shalt  }
0x76: {  	_ =	shalt  }
0x77: {  	_ =	shalt  }
0x78: {  	_ =	shalt  }
0x79: {  	_ =	shalt  }
0x7a: {  	_ =	shalt  }
0x7b: {  	_ =	shalt  }
0x7c: {  	_ =	shalt  }
0x7d: {  	_ =	shalt  }
0x7e: {  	_ =	shalt  }
0x7f: {  	_ =	shalt  }
0x80: {  	_ =	shalt  }
0x81: {  	_ =	shalt  }
0x82: {  	_ =	shalt  }
0x83: {  	_ =	shalt  }
0x84: {  	_ =	shalt  }
0x85: {  	_ =	shalt  }
0x86: {  	_ =	shalt  }
0x87: {  	_ =	shalt  }
.Lfunc_end0:
.L_simem_size_0:
called_computation.1_lowered:
.L_overlay_start_0:
0x88: {  	s2 =	sld [smem:$0x3FD9]  }
0x89: {  	s3 =	sld [smem:$0x3FFE];
	_ =	sdelay $0x1  }
0x8a: {  	s1 =	srdreg.scid  }
0x8b: {  	s0 =	sand.u32 $0x1, s1  }
0x8c: {  	s17 =	sshll.u32 s0, $0xA;
	s2 =	sadd.s32 s3, s2  }
0x8d: {  	s2 =	sadd.s32 s2, s17  }
0x8e: {  	[smem:$0x3FC2] =	sst s2  }
0x8f: {  	_ = 	snop  }
0x90: {  	s2 =	sld [smem:$0x3FD0];
	(tm) =	ssettm $0x1  }
0x91: {  	s18 =	sld [smem:$0x3FFB];
	_ =	sdelay $0x3  }
0x92: {  	_ =	strace s18  }
0x93: {  	s3 =	sld [smem:$0x3FFC];
	_ =	sdelay $0x3  }
0x94: {  	_ =	strace s3  }
0x95: {  	s3 =	sld [smem:$0x3FFD];
	_ =	sdelay $0x3  }
0x96: {  	_ =	strace s3  }
0x97: {  	_ =	strace $0x8FFFFFFF  }
0x98: {  	s19 =	sld [smem:$0x3FDB];
	_ =	sdelay $0x1  }
0x99: {  	s4 =	simm.s32 $_scs_section_size  }
0x9a: {  	s5 =	simm.s32 $_size__tile_overlayer_lowered;
	s6 =	simm.s32 $_tile_overlayer_lowered  }
0x9b: {  	s22 =	simm.s32 $0x1BFF;
	s21 =	sshll.u32 s6, $0x1;
	s3 =	sadd.s32 s4, s19  }
0x9c: {  	s7 =	simm.s32 $0x0;
	s20 =	sshll.u32 s5, $0x1;
	s5 =	sadd.s32 s21, s3  }
0x9d: {  	[timem:s7], [sflag:s22] =	dma.local [hbm:s5], s20  }
0x9e: {  	_ =	swait.ge [sflag:s22], s20  }
0x9f: {  	s4 =	ssub.s32 $0x0, s20;
	[sflag:s22] =	ssyncset.done $0x0  }
0xa0: {  	[sflag:s22] =	ssyncadd.s32 s4;
	_ =	sdelay $0x1  }
0xa1: {  	s23 =	simm.s32 $0x1B8B  }
0xa2: {  	_ =	swait.ge [sflag:s23], $0x1  }
0xa3: {  	[sflag:s23] =	ssyncset.done $0x0  }
0xa4: {  	s25 =	simm.s32 $0x1B8E;
	s24 =	sld [smem:$0x3FFE];
	[sflag:s23] =	ssyncadd.s32 $0xFFFFFFFF  }
0xa5: {  	s26 =	simm.s32 $execute0_lowered;
	[smem:$0x3FD2] =	sst s25  }
0xa6: {  	s5 =	sshll.u32 s26, $0x1;
	_ =	strace $0x80000049;
	[dreg:$0x1] =	wrdreg $0xFFFFFFFF  }
0xa7: {  	s28 =	simm.s32 $_size_execute0_lowered;
	s3 =	sadd.s32 s3, s5;
	[dreg:$0x0] =	wrdreg $0x0  }
0xa8: {  	s5 =	sshll.u32 s28, $0x1;
	[dreg:$0x2] =	wrdreg s3  }
0xa9: {  	[dreg:$0x3] =	wrdreg s5  }
0xaa: {  	[dreg:$0x4] =	wrdreg $0xC0  }
0xab: {  	_ =	task [dreg:s7], $0x5FFFF  }
0xac: {  	[dreg:$0x1] =	wrdreg $0xFFFFFFFF  }
0xad: {  	[dreg:$0x0] =	wrdreg $0x60  }
0xae: {  	[dreg:$0x2] =	wrdreg s2  }
0xaf: {  	[dreg:$0x3] =	wrdreg s24  }
0xb0: {  	[dreg:$0x4] =	wrdreg $0x92800  }
0xb1: {  	[dreg:$0x5] =	wrdreg $0x1CE800  }
0xb2: {  	[dreg:$0x6] =	wrdreg $0x9  }
0xb3: {  	_ =	task.clear_ibuf [dreg:s7], $0x7FFFF;
	_ =	strace $0x90000049  }
0xb4: {  	s29 =	simm.s32 $0x9;
	_ =	strace $0x8000004B  }
0xb5: {  	_ =	swait.ge [sflag:s29], $0x1  }
0xb6: {  	[sflag:s29] =	ssyncadd.s32 $0xFFFFFFFF  }
0xb7: {  	_ =	strace $0x9000004B  }
0xb8: {  	_ =	sfence  }
0xb9: {  	s30 =	sld [smem:$0x0];
	_ =	sdelay $0x2  }
0xba: {  	s31 =	sshll.u32 s1, $0xD;
	s1 =	sshrl.u32 s1, $0x2  }
0xbb: {  	s3 =	sand.u32 $0x4000, s31;
	s1 =	sadd.s32 s1, s30  }
0xbc: {  	s0 =	sor.u32 s3, s0;
	s1 =	sshll.u32 s1, $0x11  }
0xbd: {  	s0 =	sor.u32 s1, s0  }
0xbe: {  	s0 =	sadd.s32 $0x8F2B, s0  }
0xbf: {  	[sflag:s0] =	ssyncadd.remote.s32 $0x1  }
0xc0: {  	_ =	sfence.sel $0xFFFF  }
0xc1: {  	[dreg:$0x0] =	wrdreg $0xFFFFFFFF;
	(pc) =	sbr.abs _section_cstart, $3  }
0xc2: {  	[dreg:$0x1] =	wrdreg $0xFFFFFFFF  }
0xc3: {  	_ =	task.clear_ibuf [dreg:s7], $0x2FFFF;
	_ =	strace $0x9FFFFFFF  }
0xc4: {  	(tm) =	ssettm $0x7FFFFFFF  }
0xc5: {  	_ =	shalt  }
tec
execute0_lowered:
.L_overlay_start_1:
0x0: {  	(tag) =	ssettag $0x1  }
0x1: {  	s0 =	srdreg.scid;
	s1 =	rddreg [dreg:$0x0]  }
0x2: {  	s7 =	rddreg [dreg:$0x1];
	s24 =	stileid.u32  }
0x3: {  	s3 =	rddreg [dreg:$0x2];
	s19 =	simm.s32 $0x8E80;
	s20 =	simm.s32 $0x40  }
0x4: {  	s21 =	simm.s32 $0x4E80;
	s22 =	simm.s32 $0x6E80;
	s23 =	simm.s32 $0x1  }
0x5: {  	s28 =	simm.s32 $0x4;
	s29 =	simm.s32 $0x4E40;
	s8 =	smul.u32 $0x13C00, s24  }
0x6: {  	s30 =	simm.s32 $0x0;
	s2 =	sand.u32 $0x1, s0;
	s9 =	smul.u32 $0x2780, s24  }
0x7: {  	s25 =	sadd.s32 $0x1800, s7;
	s31 =	sshll.u32 s24, $0x6;
	s10 =	smul.u32 $0x13C000, s2  }
0x8: {  	s4 =	sshll.u32 s2, $0x4;
	s13 =	smul.u32 $0x27800, s2;
	s2 =	ssub.s32 $0x2, s2  }
0x9: {  	s5 =	sor.u32 s24, s4;
	s4 =	rddreg [dreg:$0x3];
	s12 =	sshrl.u32 s8, $0x3  }
0xa: {  	s14 =	sshrl.u32 s9, $0x3;
	s26 =	sshrl.u32 s2, $0x1;
	s16 =	sadd.s32 s8, s3  }
0xb: {  	s24 =	simm.s32 $0x5;
	s6 =	smul.u32 $0x4E8, s5;
	s5 =	simm.s32 $0x0  }
0xc: {  	s12 =	sadd.s32 s12, s7;
	s14 =	sadd.s32 s14, s7;
	s10 =	sadd.s32 s8, s10  }
0xd: {  	s13 =	sadd.s32 s9, s13;
	s2 =	ssub.s32 s2, s26;
	s8 =	sor.u32 $0x1C06, s31  }
0xe: {  	s17 =	sadd.s32 s9, s4;
	s26 =	simm.s32 $0x2;
	[smem:$0x7FF] =	sst s5  }
0xf: {  	s10 =	sshrl.u32 s10, $0x3;
	s13 =	sshrl.u32 s13, $0x3;
	s9 =	sadd.s32 $0x1A00, s14  }
0x10: {  	s14 =	smax.u32 s2, $0x1;
	s17 =	sshrl.u32 s17, $0x3;
	_ =	strace $0x8000004A  }
0x11: {  	s11 =	sadd.s32 s6, s7;
	[dreg:$0x5] =	wrdreg s25;
	s15 =	sadd.s32 s10, s7  }
0x12: {  	s13 =	sadd.s32 s13, s7;
	s7 =	sadd.s32 $0x24400, s12;
	s25 =	simm.s32 $0x3  }
0x13: {  	s10 =	sadd.s32 $0x10800, s11;
	s11 =	sadd.s32 $0x1A600, s11;
	s12 =	sadd.s32 $0x4BC00, s15  }
0x14: {  	s13 =	sadd.s32 $0x6A00, s13;
	s15 =	sshrl.u32 s16, $0x3;
	s16 =	simm.s32 $0x6  }
.LBB2_1:
0x15: {  	[spmem:s15], [sflag:s8] =	dma.local [hbm:s7], $0x2780  }
0x16: {  	_ =	swait.ge [sflag:s16], $0x2780  }
0x17: {  	[sflag:s16] =	ssyncset.done $0x0  }
0x18: {  	[sflag:s16] =	ssyncadd.s32 $0xFFFFD880  }
0x19: {  	[spmem:s17], [sflag:s8] =	dma.local [hbm:s9], $0x4F0  }
0x1a: {  	_ =	swait.ge [sflag:s16], $0x4F0  }
0x1b: {  	[sflag:s16] =	ssyncset.done $0x0  }
0x1c: {  	[sflag:s16] =	ssyncadd.s32 $0xFFFFFB10  }
0x1d: {  	[tilespmem:s5], [sflag:$0x6] =	stream.linear.gather [hbm4b:s10+s5], $0x2740, $0x38;
	[tilespmem:$0x1F600] =	vst v63  }
0x1e: {  	_ =	swait.ge [sflag:s16], $0x2740  }
0x1f: {  	[sflag:s16] =	ssyncset.done $0x0  }
0x20: {  	s0 =	simm.s32 $0x2740;
	[sflag:s16] =	ssyncadd.s32 $0xFFFFD8C0  }
0x21: {  	[tilespmem:s0], [sflag:$0x6] =	stream.linear.gather [hbm4b:s11+s5], $0x2740, $0x38;
	[tilespmem:$0x1F600] =	vst v63  }
0x22: {  	_ =	swait.ge [sflag:s16], $0x2740  }
0x23: {  	[sflag:s16] =	ssyncset.done $0x0  }
0x24: {  	s2 =	rddreg [dreg:$0x5];
	[sflag:s16] =	ssyncadd.s32 $0xFFFFD8C0  }
0x25: {  	[tilespmem:s19], [sflag:$0x6] =	stream.linear.gather [hbm4b:s2+s5], $0x400, $0x38;
	[tilespmem:$0x1F600] =	vst v63  }
0x26: {  	_ =	swait.ge [sflag:s16], $0x400  }
0x27: {  	[sflag:s16] =	ssyncset.done $0x0  }
0x28: {  	[sflag:s16] =	ssyncadd.s32 $0xFFFFFC00  }
0x29: {  	[bflag:$0x0] =	sbarrier.arrive $0xFFFF  }
0x2a: {  	[tilespmem:s21], [sflag:$0x1] =	stream.indirect.gather [hbm4b:s1+s20], $0x80, s5, s20, $0xb8;
	[tilespmem:$0x1F600] =	vst v63  }
0x2b: {  	s2 =	simm.s32 $0x40  }
0x2c: {  	[tilespmem:s22], [sflag:$0x2] =	stream.indirect.gather [hbm4b:s1+s20], $0x80, s2, s20, $0xb8;
	[tilespmem:$0x1F600] =	vst v63  }
0x2d: {  	s6 =	simm.s32 $0x2740  }
0x2e: {  	[spmem:s4] =	stream.indirect.scatter.add.f32 [tilespmem:s19], [sflag:$0x5], $0x10, s6, s20, $0xb8;
	[tilespmem:$0x1F600] =	vst v63  }
0x2f: {  	_ =	swait.ge [sflag:s23], $0x2000  }
0x30: {  	[sflag:s23] =	ssyncset.done $0x0  }
0x31: {  	[sflag:s23] =	ssyncadd.s32 $0xFFFFE000  }
0x32: {  	[spmem:s3] =	stream.indirect.scatter.add.f32 [tilespmem:s21], [sflag:$0x3], $0x80, s6, s20, $0xb8;
	[tilespmem:$0x1F600] =	vst v63  }
0x33: {  	_ =	swait.ge [sflag:s24], $0x400  }
0x34: {  	[sflag:s24] =	ssyncset.done $0x0  }
0x35: {  	s18 =	simm.s32 $0x2780;
	[sflag:s24] =	ssyncadd.s32 $0xFFFFFC00  }
0x36: {  	[spmem:s4] =	stream.indirect.scatter.add.f32 [tilespmem:s19], [sflag:$0x5], $0x10, s18, s20, $0xb8;
	[tilespmem:$0x1F600] =	vst v63  }
0x37: {  	_ =	swait.ge [sflag:s25], $0x2000  }
0x38: {  	[sflag:s25] =	ssyncset.done $0x0  }
0x39: {  	s31 =	simm.s32 $0x80;
	[sflag:s25] =	ssyncadd.s32 $0xFFFFE000  }
0x3a: {  	[tilespmem:s21], [sflag:$0x1] =	stream.indirect.gather [hbm4b:s1+s20], $0x80, s31, s20, $0xb8;
	[tilespmem:$0x1F600] =	vst v63  }
0x3b: {  	_ =	swait.ge [sflag:s26], $0x2000  }
0x3c: {  	[sflag:s26] =	ssyncset.done $0x0  }
0x3d: {  	[sflag:s26] =	ssyncadd.s32 $0xFFFFE000  }
0x3e: {  	[spmem:s3] =	stream.indirect.scatter.add.f32 [tilespmem:s22], [sflag:$0x4], $0x80, s18, s20, $0xb8;
	[tilespmem:$0x1F600] =	vst v63  }
0x3f: {  	_ =	swait.ge [sflag:s24], $0x400  }
0x40: {  	[sflag:s24] =	ssyncset.done $0x0  }
0x41: {  	[sflag:s24] =	ssyncadd.s32 $0xFFFFFC00  }
0x42: {  	_ =	swait.ge [sflag:s28], $0x2000  }
0x43: {  	s2 =	simm.s32 $0x400;
	s31 =	simm.s32 $0x80;
	[sflag:s28] =	ssyncset.done $0x0  }
.LBB2_2:
0x44: {  	s0 =	sadd.s32 $0x40, s31  }
0x45: {  	[sflag:s28] =	ssyncadd.s32 $0xFFFFE000;
	s18 =	smov.u32 s2;
	s6 =	sadd.s32 $0x200, s2  }
0x46: {  	[tilespmem:s22], [sflag:$0x2] =	stream.indirect.gather [hbm4b:s1+s20], $0x80, s0, s20, $0xb8;
	[tilespmem:$0x1F600] =	vst v63  }
0x47: {  	p0 =	sne.s32 s2, $0x9A00;
	s0 =	sadd.s32 $0x2740, s31  }
0x48: {  	[spmem:s4] =	stream.indirect.scatter.add.f32 [tilespmem:s19], [sflag:$0x5], $0x10, s0, s20, $0xb8;
	[tilespmem:$0x1F600] =	vst v63  }
0x49: {  	_ =	swait.ge [sflag:s23], $0x2000  }
0x4a: {  	[sflag:s23] =	ssyncset.done $0x0  }
0x4b: {  	[sflag:s23] =	ssyncadd.s32 $0xFFFFE000  }
0x4c: {  	[spmem:s3] =	stream.indirect.scatter.add.f32 [tilespmem:s21], [sflag:$0x3], $0x80, s0, s20, $0xb8;
	[tilespmem:$0x1F600] =	vst v63  }
0x4d: {  	_ =	swait.ge [sflag:s24], $0x400  }
0x4e: {  	[sflag:s24] =	ssyncset.done $0x0  }
0x4f: {  	s0 =	sadd.s32 $0x2780, s31;
	[sflag:s24] =	ssyncadd.s32 $0xFFFFFC00  }
0x50: {  	[spmem:s4] =	stream.indirect.scatter.add.f32 [tilespmem:s19], [sflag:$0x5], $0x10, s0, s20, $0xb8;
	[tilespmem:$0x1F600] =	vst v63  }
0x51: {  	_ =	swait.ge [sflag:s25], $0x2000  }
0x52: {  	[sflag:s25] =	ssyncset.done $0x0  }
0x53: {  	s2 =	sadd.s32 $0x80, s31;
	[sflag:s25] =	ssyncadd.s32 $0xFFFFE000  }
0x54: {  	[tilespmem:s21], [sflag:$0x1] =	stream.indirect.gather [hbm4b:s1+s20], $0x80, s2, s20, $0xb8;
	[tilespmem:$0x1F600] =	vst v63  }
0x55: {  	_ =	swait.ge [sflag:s26], $0x2000  }
0x56: {  	[sflag:s26] =	ssyncset.done $0x0  }
0x57: {  	[sflag:s26] =	ssyncadd.s32 $0xFFFFE000  }
0x58: {  	[spmem:s3] =	stream.indirect.scatter.add.f32 [tilespmem:s22], [sflag:$0x4], $0x80, s0, s20, $0xb8;
	[tilespmem:$0x1F600] =	vst v63  }
.Ltmp0:
0x59: {  	_ =	swait.ge [sflag:s24], $0x400;
	(pc) =	sbr.rel @p0 .LBB2_2-.Ltmp0, $4  }
0x5a: {  	[sflag:s24] =	ssyncset.done $0x0  }
0x5b: {  	[sflag:s24] =	ssyncadd.s32 $0xFFFFFC00  }
0x5c: {  	_ =	swait.ge [sflag:s28], $0x2000  }
0x5d: {  	s31 =	sshra.s32 s18, $0x2;
	s2 =	smov.u32 s6;
	[sflag:s28] =	ssyncset.done $0x0  }
0x5e: {  	s0 =	sadd.s32 $0x40, s31;
	[sflag:s28] =	ssyncadd.s32 $0xFFFFE000  }
0x5f: {  	[tilespmem:s22], [sflag:$0x2] =	stream.indirect.gather [hbm4b:s1+s20], $0x80, s0, s20, $0xb8;
	[tilespmem:$0x1F600] =	vst v63  }
0x60: {  	s6 =	sadd.s32 $0x2740, s31  }
0x61: {  	[spmem:s4] =	stream.indirect.scatter.add.f32 [tilespmem:s19], [sflag:$0x5], $0x10, s6, s20, $0xb8;
	[tilespmem:$0x1F600] =	vst v63  }
0x62: {  	_ =	swait.ge [sflag:s23], $0x2000  }
0x63: {  	[sflag:s23] =	ssyncset.done $0x0  }
0x64: {  	[sflag:s23] =	ssyncadd.s32 $0xFFFFE000  }
0x65: {  	[spmem:s3] =	stream.indirect.scatter.add.f32 [tilespmem:s21], [sflag:$0x3], $0x80, s6, s20, $0xb8;
	[tilespmem:$0x1F600] =	vst v63  }
0x66: {  	_ =	swait.ge [sflag:s24], $0x400  }
0x67: {  	[sflag:s24] =	ssyncset.done $0x0  }
0x68: {  	s18 =	sadd.s32 $0x2780, s31;
	[sflag:s24] =	ssyncadd.s32 $0xFFFFFC00  }
0x69: {  	[spmem:s4] =	stream.indirect.scatter.add.f32 [tilespmem:s19], [sflag:$0x5], $0x10, s18, s20, $0xb8;
	[tilespmem:$0x1F600] =	vst v63  }
0x6a: {  	_ =	swait.ge [sflag:s25], $0x2000  }
0x6b: {  	[sflag:s25] =	ssyncset.done $0x0  }
0x6c: {  	s2 =	sadd.s32 $0x80, s31;
	[sflag:s25] =	ssyncadd.s32 $0xFFFFE000  }
0x6d: {  	[tilespmem:s21], [sflag:$0x1] =	stream.indirect.gather [hbm4b:s1+s20], $0x80, s2, s20, $0xb8;
	[tilespmem:$0x1F600] =	vst v63  }
0x6e: {  	_ =	swait.ge [sflag:s26], $0x2000  }
0x6f: {  	[sflag:s26] =	ssyncset.done $0x0  }
0x70: {  	[sflag:s26] =	ssyncadd.s32 $0xFFFFE000  }
0x71: {  	[spmem:s3] =	stream.indirect.scatter.add.f32 [tilespmem:s22], [sflag:$0x4], $0x80, s18, s20, $0xb8;
	[tilespmem:$0x1F600] =	vst v63  }
0x72: {  	_ =	swait.ge [sflag:s24], $0x400  }
0x73: {  	[sflag:s24] =	ssyncset.done $0x0  }
0x74: {  	[sflag:s24] =	ssyncadd.s32 $0xFFFFFC00  }
0x75: {  	_ =	swait.ge [sflag:s28], $0x2000  }
0x76: {  	[sflag:s28] =	ssyncset.done $0x0  }
0x77: {  	[sflag:s28] =	ssyncadd.s32 $0xFFFFE000  }
0x78: {  	_ =	swait.ge [sflag:s23], $0x2000  }
0x79: {  	[sflag:s23] =	ssyncset.done $0x0  }
0x7a: {  	[sflag:s23] =	ssyncadd.s32 $0xFFFFE000  }
0x7b: {  	[spmem:s3] =	stream.indirect.scatter.add.f32 [tilespmem:s21], [sflag:$0x6], $0x80, s29, s20, $0xb8;
	[tilespmem:$0x1F600] =	vst v63  }
0x7c: {  	_ =	swait.ge [sflag:s16], $0x2000  }
0x7d: {  	[sflag:s16] =	ssyncset.done $0x0  }
0x7e: {  	[sflag:s16] =	ssyncadd.s32 $0xFFFFE000  }
0x7f: {  	[spmem:s4] =	stream.indirect.scatter.add.f32 [tilespmem:s19], [sflag:$0x6], $0x10, s29, s20, $0xb8;
	[tilespmem:$0x1F600] =	vst v63  }
0x80: {  	_ =	swait.ge [sflag:s16], $0x400  }
0x81: {  	[sflag:s16] =	ssyncset.done $0x0  }
0x82: {  	[sflag:s16] =	ssyncadd.s32 $0xFFFFFC00  }
0x83: {  	[bflag:$0x0] =	sbarrier.arrive $0xFFFF  }
0x84: {  	[hbm:s12], [sflag:s8] =	dma.local [spmem:s15], $0x2780  }
0x85: {  	s30 =	sadd.s32 $0x1, s30;
	_ =	swait.ge [sflag:s16], $0x2780  }
0x86: {  	p0 =	sne.s32 s30, s14;
	[sflag:s16] =	ssyncset.done $0x0  }
.Ltmp1:
0x87: {  	[sflag:s16] =	ssyncadd.s32 $0xFFFFD880;
	(pc) =	sbr.rel @p0 .LBB2_1-.Ltmp1, $4  }
0x88: {  	[hbm:s13], [sflag:s8] =	dma.local [spmem:s17], $0x4F0  }
0x89: {  	_ =	swait.ge [sflag:s16], $0x4F0  }
0x8a: {  	[sflag:s16] =	ssyncset.done $0x0  }
0x8b: {  	[sflag:s16] =	ssyncadd.s32 $0xFFFFFB10  }
0x8c: {  	_ =	sfence.sel $0x180000  }
0x8d: {  	[bflag:$0x0] =	sbarrier.arrive $0xFFFF  }
0x8e: {  	_ =	strace $0x9000004A  }
0x8f: {  	s0 =	stileid.u32;
	[bflag:$0x2] =	sbarrier.arrive $0xFFFF  }
0x90: {  	p0 =	sne.s32 s0, $0x0;
	s0 =	rddreg [dreg:$0x4]  }
0x91: {  	s0 =	sadd.s32 @!p0 $0x100000, s0  }
0x92: {  	[sflag:s0] =	ssyncadd.tile.s32 @!p0 $0x1;
	_ =	shalt  }
.Lfunc_end2:
_tile_overlayer_lowered:
.L_overlay_start_2:
0x93: {  	(tag) =	ssettag $0x2  }
0x94: {  	s0 =	rddreg [dreg:$0x0];
	s2 =	stileid.u32  }
0x95: {  	s1 =	rddreg [dreg:$0x1];
	p0 =	sne.s32 s2, $0x0  }
0x96: {  	s3 =	rddreg [dreg:$0x2];
	[bflag:$0x3] =	sbarrier.arrive $0xFFFF;
	s2 =	simm.s32 @!p0 $0x1C06  }
0x97: {  	[timem:s3], [sflag:s2] =	dma.local @!p0 [hbm:s0], s1  }
0x98: {  	s0 =	simm.s32 @!p0 $0x6  }
0x99: {  	_ =	swait.ge @!p0 [sflag:s0], s1  }
0x9a: {  	s1 =	ssub.s32 @!p0 $0x0, s1;
	[sflag:s0] =	ssyncset.done @!p0 $0x0  }
0x9b: {  	[sflag:s0] =	ssyncadd.s32 @!p0 s1  }
0x9c: {  	[bflag:$0x3] =	sbarrier.arrive $0xFFFF  }
0x9d: {  	_ =	shalt  }

</sc_bundles>
